<compile_context>
chip_gen: v7x
topology: tpu7x:2x2x1
jax: 0.10.2.dev20260603
libtpu: 0.0.44.dev20260713+nightly
codegen_flags: <defaults>
</compile_context>

<pallas_src>
import functools

import jax
import jax.numpy as jnp
from jax import lax
from jax.experimental import pallas as pl
from jax.experimental.pallas import tpu as pltpu
from jax.experimental.pallas import tpu_sc as plsc

N = 10000
E = 320000
D = 128

NC = 2
NS = 16
LANES = 16

CHUNK = 80
EDGES_PER_CORE = E // NC
EDGES_PER_TILE = EDGES_PER_CORE // NS
SUB = 2000
NBLK = EDGES_PER_TILE // SUB
CHUNKS_PER_BLK = SUB // CHUNK
ROWS_PER_TILE = 640
ACC_ROWS = NS * ROWS_PER_TILE
INIT_ROWS = 80

_BCAST_DNUMS = lax.GatherDimensionNumbers(
    offset_dims=(), collapsed_slice_dims=(0,), start_index_map=(0,))



def _matmul_body(x_ref, w_ref, o_ref):
    o_ref[...] = jnp.dot(x_ref[...], w_ref[...],
                         preferred_element_type=jnp.float32)


def _matmul(x, w):
    blk = 1000
    return pl.pallas_call(
        _matmul_body,
        grid=(N // blk,),
        in_specs=[
            pl.BlockSpec((blk, D), lambda i: (i, 0)),
            pl.BlockSpec((D, D), lambda i: (0, 0)),
        ],
        out_specs=pl.BlockSpec((blk, D), lambda i: (i, 0)),
        out_shape=jax.ShapeDtypeStruct((N, D), jnp.float32),
    )(x, w)



def _sc_body(support_hbm, src_hbm, dst_hbm, ew_hbm, init_hbm, out_hbm,
             srcs_v, dsts_v, ws_v, sidx_v, didx_v, rows_v, init_v, acc, sem):
    c = lax.axis_index("c")
    s = lax.axis_index("s")

    pltpu.sync_copy(init_hbm.at[pl.ds(c * INIT_ROWS, INIT_ROWS)], init_v)
    row0 = s * ROWS_PER_TILE
    for k in range(ROWS_PER_TILE // INIT_ROWS):
        pltpu.sync_copy(init_v, acc.at[pl.ds(row0 + k * INIT_ROWS, INIT_ROWS)])
    plsc.subcore_barrier()

    ebase = c * EDGES_PER_CORE + s * EDGES_PER_TILE

    def blk_body(b, carry0):
        bbase = ebase + b * SUB
        pltpu.sync_copy(src_hbm.at[pl.ds(bbase, SUB)], srcs_v)
        pltpu.sync_copy(dst_hbm.at[pl.ds(bbase, SUB)], dsts_v)
        pltpu.sync_copy(ew_hbm.at[pl.ds(bbase, SUB)], ws_v)
        lax.fori_loop(0, CHUNKS_PER_BLK, chunk_body, 0)
        return carry0

    def chunk_body(k, carry):
        base = k * CHUNK
        for t in range(CHUNK // LANES):
            sl = pl.ds(t * LANES, LANES)
            sidx_v[sl] = srcs_v[pl.ds(base + t * LANES, LANES)]
            didx_v[sl] = dsts_v[pl.ds(base + t * LANES, LANES)]
        pltpu.async_copy(support_hbm.at[sidx_v], rows_v, sem).wait()

        def group_body(g, carry2):
            wv = ws_v[pl.ds(base + g * LANES, LANES)]

            def row_body(r, carry3):
                wb = lax.gather(
                    wv, jnp.full((LANES, 1), r, jnp.int32),
                    _BCAST_DNUMS, slice_sizes=(1,),
                    mode=lax.GatherScatterMode.PROMISE_IN_BOUNDS)
                row = g * LANES + r
                for j in range(D // LANES):
                    sl2 = (row, pl.ds(j * LANES, LANES))
                    rows_v[sl2] = rows_v[sl2] * wb
                return carry3

            return lax.fori_loop(0, LANES, row_body, carry2)

        lax.fori_loop(0, CHUNK // LANES, group_body, 0)

        pltpu.sync_copy(rows_v, acc.at[didx_v], add=True)
        return carry

    lax.fori_loop(0, NBLK, blk_body, 0)

    plsc.subcore_barrier()
    obase = c * ACC_ROWS + s * ROWS_PER_TILE
    for k in range(ROWS_PER_TILE // INIT_ROWS):
        pltpu.sync_copy(acc.at[pl.ds(row0 + k * INIT_ROWS, INIT_ROWS)],
                        out_hbm.at[pl.ds(obase + k * INIT_ROWS, INIT_ROWS)])


def _sc_aggregate(support, src, dst, ew, init):
    mesh = plsc.VectorSubcoreMesh(core_axis_name="c", subcore_axis_name="s")
    f = pl.kernel(
        _sc_body,
        out_type=jax.ShapeDtypeStruct((NC * ACC_ROWS, D), jnp.float32),
        mesh=mesh,
        scratch_types=[
            pltpu.VMEM((SUB,), jnp.int32),
            pltpu.VMEM((SUB,), jnp.int32),
            pltpu.VMEM((SUB,), jnp.float32),
            pltpu.VMEM((CHUNK,), jnp.int32),
            pltpu.VMEM((CHUNK,), jnp.int32),
            pltpu.VMEM((CHUNK, D), jnp.float32),
            pltpu.VMEM((INIT_ROWS, D), jnp.float32),
            pltpu.VMEM_SHARED((ACC_ROWS, D), jnp.float32),
            pltpu.SemaphoreType.DMA,
        ],
    )
    return f(support, src, dst, ew, init)



def _combine_body(a_ref, b_ref, o_ref):
    o_ref[...] = a_ref[...] + b_ref[...]


def _combine(part):
    blk = 80
    return pl.pallas_call(
        _combine_body,
        grid=(N // blk,),
        in_specs=[
            pl.BlockSpec((blk, D), lambda i: (i, 0)),
            pl.BlockSpec((blk, D), lambda i: (i + ACC_ROWS // blk, 0)),
        ],
        out_specs=pl.BlockSpec((blk, D), lambda i: (i, 0)),
        out_shape=jax.ShapeDtypeStruct((N, D), jnp.float32),
    )(part, part)




@jax.jit
def _run(input, edge_index, edge_weight, weight, bias):
    support = _matmul(input, weight)
    src = edge_index[0]
    dst = edge_index[1]
    init = jnp.concatenate(
        [jnp.tile(bias[None, :], (INIT_ROWS, 1)),
         jnp.zeros((INIT_ROWS, D), jnp.float32)], axis=0)
    part = _sc_aggregate(support, src, dst, edge_weight, init)
    return _combine(part)


def kernel(input, edge_index, edge_weight, weight, bias):
    return _run(input, edge_index, edge_weight, weight, bias)

# --- scband reference (transcript-rebuilt; emitter-appended) ---
"""Pipeline reference for scband-graph-convolution-6811818131827 (READ-ONLY COPY).

The authoritative reference and input builder live on the scoring server;
editing this copy changes nothing except your own understanding.
"""

import jax, jax.numpy as jnp
import numpy as np

N = 10000
E = 320000
D_IN = 128
D_OUT = 128


def setup_inputs(seed: int = 0) -> dict:
    key = jax.random.key(seed)
    k1, k2, k3, k4, k5 = jax.random.split(key, 5)
    x = jax.random.normal(k1, (N, D_IN), dtype=jnp.float32)
    edge_index = jax.random.randint(k2, (2, E), 0, N, dtype=jnp.int32)
    edge_weight = jax.random.uniform(k3, (E,), dtype=jnp.float32)
    # Learned parameters per init_kwargs (in_features=128, out_features=128, bias=True).
    # In the original module these are also passed in through the forward call
    # (weights/bias args) and copied into self.weight/self.bias.
    W = jax.random.normal(k4, (D_IN, D_OUT), dtype=jnp.float32) * (1.0 / np.sqrt(D_IN))
    b = jax.random.normal(k5, (D_OUT,), dtype=jnp.float32) * 0.05
    return {"input": x, "edge_index": edge_index, "edge_weight": edge_weight, "weight": W, "bias": b}


def reference(input, edge_index, edge_weight, weight, bias):
    # Core GCN layer math from GraphConvolution.forward (distributed plumbing stripped):
    #   support = X @ W            (torch.mm)
    #   output  = A_hat @ support  (torch.spmm, here as gather + scatter-add over edges)
    #   return output + bias
    support = jnp.dot(input, weight)                      # [N, D_OUT]
    src = edge_index[0]
    dst = edge_index[1]
    msgs = jnp.take(support, src, axis=0) * edge_weight[:, None]  # gather -> [E, D_OUT]
    agg = jax.ops.segment_sum(msgs, dst, num_segments=N)          # scatter-add -> [N, D_OUT]
    return agg + bias

if __name__ == "__main__":
    import jax
    _d = setup_inputs()
    print(jax.jit(kernel)(*tuple(_d.values())))

</pallas_src>

<mosaic_0001>
#map = affine_map<(d0, d1) -> (0, 0)>
#map1 = affine_map<(d0, d1) -> (0)>
module attributes {stable_mosaic.version = 14 : i64} {
  func.func @_sc_body(%arg0: i32, %arg1: i32, %arg2: memref<10000x128xf32, #tpu.memory_space<hbm>>, %arg3: memref<320000xi32, #tpu.memory_space<hbm>>, %arg4: memref<320000xi32, #tpu.memory_space<hbm>>, %arg5: memref<320000xf32, #tpu.memory_space<hbm>>, %arg6: memref<160x128xf32, #tpu.memory_space<hbm>>, %arg7: memref<20480x128xf32, #tpu.memory_space<hbm>>, %arg8: memref<2000xi32, #tpu.memory_space<vmem>>, %arg9: memref<2000xi32, #tpu.memory_space<vmem>>, %arg10: memref<2000xf32, #tpu.memory_space<vmem>>, %arg11: memref<80xi32, #tpu.memory_space<vmem>>, %arg12: memref<80xi32, #tpu.memory_space<vmem>>, %arg13: memref<80x128xf32, #tpu.memory_space<vmem>>, %arg14: memref<80x128xf32, #tpu.memory_space<vmem>>, %arg15: memref<10240x128xf32, #tpu.memory_space<vmem_shared>>, %arg16: memref<!tpu.dma_semaphore, #tpu.memory_space<semaphore_mem>>) attributes {dimension_semantics = [#tpu.dimension_semantics<core_parallel>, #tpu.dimension_semantics<subcore_parallel>], iteration_bounds = array<i64: 2, 16>, scalar_prefetch = 0 : i64, scratch_operands = 9 : i64, tpu.core_type = #tpu.core_type<sc_vector_subcore>, window_params = [{transform_indices = #map}, {transform_indices = #map1}, {transform_indices = #map1}, {transform_indices = #map1}, {transform_indices = #map}, {transform_indices = #map}]} {
    %mul3A = arith.constant 80 : i32
    %mul3A_0 = arith.muli %arg0, %mul3A : i32
    "tpu.region"() ({
      %run_scoped3A = tpu.sem_alloc : memref<!tpu.dma_semaphore, #tpu.memory_space<semaphore_mem>>
      %dma_start3A = arith.constant 0 : i32
      %dma_start3A_66 = tpu.memref_slice %arg6[%mul3A_0, %dma_start3A] : memref<160x128xf32, #tpu.memory_space<hbm>> -> memref<80x128xf32, #tpu.memory_space<hbm>>
      %dma_start3A_67 = arith.constant 0 : i32
      %dma_start3A_68 = tpu.memref_slice %arg6[%mul3A_0, %dma_start3A_67] : memref<160x128xf32, #tpu.memory_space<hbm>> -> memref<80x128xf32, #tpu.memory_space<hbm>>
      tpu.enqueue_dma source(%dma_start3A_68 : memref<80x128xf32, #tpu.memory_space<hbm>>) target(%arg14 : memref<80x128xf32, #tpu.memory_space<vmem>>) target_semaphore(%run_scoped3A : memref<!tpu.dma_semaphore, #tpu.memory_space<semaphore_mem>>)
      %dma_wait3A = arith.constant 0 : i32
      %dma_wait3A_69 = tpu.memref_slice %arg6[%mul3A_0, %dma_wait3A] : memref<160x128xf32, #tpu.memory_space<hbm>> -> memref<80x128xf32, #tpu.memory_space<hbm>>
      %dma_wait3A_70 = arith.constant 0 : i32
      %dma_wait3A_71 = tpu.memref_slice %arg6[%mul3A_0, %dma_wait3A_70] : memref<160x128xf32, #tpu.memory_space<hbm>> -> memref<80x128xf32, #tpu.memory_space<hbm>>
      tpu.wait_dma2 semaphore(%run_scoped3A : memref<!tpu.dma_semaphore, #tpu.memory_space<semaphore_mem>>) src(%dma_wait3A_71 : memref<80x128xf32, #tpu.memory_space<hbm>>) dst(%arg14 : memref<80x128xf32, #tpu.memory_space<vmem>>)
      tpu.yield
    }) : () -> ()
    %mul3A_1 = arith.constant 640 : i32
    %mul3A_2 = arith.muli %arg1, %mul3A_1 : i32
    %add3A = arith.constant 0 : i32
    %add3A_3 = arith.addi %mul3A_2, %add3A : i32
    "tpu.region"() ({
      %run_scoped3A = tpu.sem_alloc : memref<!tpu.dma_semaphore, #tpu.memory_space<semaphore_mem>>
      %dma_start3A = arith.constant 0 : i32
      %dma_start3A_66 = tpu.memref_slice %arg15[%add3A_3, %dma_start3A] : memref<10240x128xf32, #tpu.memory_space<vmem_shared>> -> memref<80x128xf32, #tpu.memory_space<vmem_shared>>
      %dma_start3A_67 = arith.constant 0 : i32
      %dma_start3A_68 = tpu.memref_slice %arg15[%add3A_3, %dma_start3A_67] : memref<10240x128xf32, #tpu.memory_space<vmem_shared>> -> memref<80x128xf32, #tpu.memory_space<vmem_shared>>
      tpu.enqueue_dma source(%arg14 : memref<80x128xf32, #tpu.memory_space<vmem>>) target(%dma_start3A_68 : memref<80x128xf32, #tpu.memory_space<vmem_shared>>) target_semaphore(%run_scoped3A : memref<!tpu.dma_semaphore, #tpu.memory_space<semaphore_mem>>)
      %dma_wait3A = arith.constant 0 : i32
      %dma_wait3A_69 = tpu.memref_slice %arg15[%add3A_3, %dma_wait3A] : memref<10240x128xf32, #tpu.memory_space<vmem_shared>> -> memref<80x128xf32, #tpu.memory_space<vmem_shared>>
      %dma_wait3A_70 = arith.constant 0 : i32
      %dma_wait3A_71 = tpu.memref_slice %arg15[%add3A_3, %dma_wait3A_70] : memref<10240x128xf32, #tpu.memory_space<vmem_shared>> -> memref<80x128xf32, #tpu.memory_space<vmem_shared>>
      tpu.wait_dma2 semaphore(%run_scoped3A : memref<!tpu.dma_semaphore, #tpu.memory_space<semaphore_mem>>) src(%arg14 : memref<80x128xf32, #tpu.memory_space<vmem>>) dst(%dma_wait3A_71 : memref<80x128xf32, #tpu.memory_space<vmem_shared>>)
      tpu.yield
    }) : () -> ()
    %add3A_4 = arith.constant 80 : i32
    %add3A_5 = arith.addi %mul3A_2, %add3A_4 : i32
    "tpu.region"() ({
      %run_scoped3A = tpu.sem_alloc : memref<!tpu.dma_semaphore, #tpu.memory_space<semaphore_mem>>
      %dma_start3A = arith.constant 0 : i32
      %dma_start3A_66 = tpu.memref_slice %arg15[%add3A_5, %dma_start3A] : memref<10240x128xf32, #tpu.memory_space<vmem_shared>> -> memref<80x128xf32, #tpu.memory_space<vmem_shared>>
      %dma_start3A_67 = arith.constant 0 : i32
      %dma_start3A_68 = tpu.memref_slice %arg15[%add3A_5, %dma_start3A_67] : memref<10240x128xf32, #tpu.memory_space<vmem_shared>> -> memref<80x128xf32, #tpu.memory_space<vmem_shared>>
      tpu.enqueue_dma source(%arg14 : memref<80x128xf32, #tpu.memory_space<vmem>>) target(%dma_start3A_68 : memref<80x128xf32, #tpu.memory_space<vmem_shared>>) target_semaphore(%run_scoped3A : memref<!tpu.dma_semaphore, #tpu.memory_space<semaphore_mem>>)
      %dma_wait3A = arith.constant 0 : i32
      %dma_wait3A_69 = tpu.memref_slice %arg15[%add3A_5, %dma_wait3A] : memref<10240x128xf32, #tpu.memory_space<vmem_shared>> -> memref<80x128xf32, #tpu.memory_space<vmem_shared>>
      %dma_wait3A_70 = arith.constant 0 : i32
      %dma_wait3A_71 = tpu.memref_slice %arg15[%add3A_5, %dma_wait3A_70] : memref<10240x128xf32, #tpu.memory_space<vmem_shared>> -> memref<80x128xf32, #tpu.memory_space<vmem_shared>>
      tpu.wait_dma2 semaphore(%run_scoped3A : memref<!tpu.dma_semaphore, #tpu.memory_space<semaphore_mem>>) src(%arg14 : memref<80x128xf32, #tpu.memory_space<vmem>>) dst(%dma_wait3A_71 : memref<80x128xf32, #tpu.memory_space<vmem_shared>>)
      tpu.yield
    }) : () -> ()
    %add3A_6 = arith.constant 160 : i32
    %add3A_7 = arith.addi %mul3A_2, %add3A_6 : i32
    "tpu.region"() ({
      %run_scoped3A = tpu.sem_alloc : memref<!tpu.dma_semaphore, #tpu.memory_space<semaphore_mem>>
      %dma_start3A = arith.constant 0 : i32
      %dma_start3A_66 = tpu.memref_slice %arg15[%add3A_7, %dma_start3A] : memref<10240x128xf32, #tpu.memory_space<vmem_shared>> -> memref<80x128xf32, #tpu.memory_space<vmem_shared>>
      %dma_start3A_67 = arith.constant 0 : i32
      %dma_start3A_68 = tpu.memref_slice %arg15[%add3A_7, %dma_start3A_67] : memref<10240x128xf32, #tpu.memory_space<vmem_shared>> -> memref<80x128xf32, #tpu.memory_space<vmem_shared>>
      tpu.enqueue_dma source(%arg14 : memref<80x128xf32, #tpu.memory_space<vmem>>) target(%dma_start3A_68 : memref<80x128xf32, #tpu.memory_space<vmem_shared>>) target_semaphore(%run_scoped3A : memref<!tpu.dma_semaphore, #tpu.memory_space<semaphore_mem>>)
      %dma_wait3A = arith.constant 0 : i32
      %dma_wait3A_69 = tpu.memref_slice %arg15[%add3A_7, %dma_wait3A] : memref<10240x128xf32, #tpu.memory_space<vmem_shared>> -> memref<80x128xf32, #tpu.memory_space<vmem_shared>>
      %dma_wait3A_70 = arith.constant 0 : i32
      %dma_wait3A_71 = tpu.memref_slice %arg15[%add3A_7, %dma_wait3A_70] : memref<10240x128xf32, #tpu.memory_space<vmem_shared>> -> memref<80x128xf32, #tpu.memory_space<vmem_shared>>
      tpu.wait_dma2 semaphore(%run_scoped3A : memref<!tpu.dma_semaphore, #tpu.memory_space<semaphore_mem>>) src(%arg14 : memref<80x128xf32, #tpu.memory_space<vmem>>) dst(%dma_wait3A_71 : memref<80x128xf32, #tpu.memory_space<vmem_shared>>)
      tpu.yield
    }) : () -> ()
    %add3A_8 = arith.constant 240 : i32
    %add3A_9 = arith.addi %mul3A_2, %add3A_8 : i32
    "tpu.region"() ({
      %run_scoped3A = tpu.sem_alloc : memref<!tpu.dma_semaphore, #tpu.memory_space<semaphore_mem>>
      %dma_start3A = arith.constant 0 : i32
      %dma_start3A_66 = tpu.memref_slice %arg15[%add3A_9, %dma_start3A] : memref<10240x128xf32, #tpu.memory_space<vmem_shared>> -> memref<80x128xf32, #tpu.memory_space<vmem_shared>>
      %dma_start3A_67 = arith.constant 0 : i32
      %dma_start3A_68 = tpu.memref_slice %arg15[%add3A_9, %dma_start3A_67] : memref<10240x128xf32, #tpu.memory_space<vmem_shared>> -> memref<80x128xf32, #tpu.memory_space<vmem_shared>>
      tpu.enqueue_dma source(%arg14 : memref<80x128xf32, #tpu.memory_space<vmem>>) target(%dma_start3A_68 : memref<80x128xf32, #tpu.memory_space<vmem_shared>>) target_semaphore(%run_scoped3A : memref<!tpu.dma_semaphore, #tpu.memory_space<semaphore_mem>>)
      %dma_wait3A = arith.constant 0 : i32
      %dma_wait3A_69 = tpu.memref_slice %arg15[%add3A_9, %dma_wait3A] : memref<10240x128xf32, #tpu.memory_space<vmem_shared>> -> memref<80x128xf32, #tpu.memory_space<vmem_shared>>
      %dma_wait3A_70 = arith.constant 0 : i32
      %dma_wait3A_71 = tpu.memref_slice %arg15[%add3A_9, %dma_wait3A_70] : memref<10240x128xf32, #tpu.memory_space<vmem_shared>> -> memref<80x128xf32, #tpu.memory_space<vmem_shared>>
      tpu.wait_dma2 semaphore(%run_scoped3A : memref<!tpu.dma_semaphore, #tpu.memory_space<semaphore_mem>>) src(%arg14 : memref<80x128xf32, #tpu.memory_space<vmem>>) dst(%dma_wait3A_71 : memref<80x128xf32, #tpu.memory_space<vmem_shared>>)
      tpu.yield
    }) : () -> ()
    %add3A_10 = arith.constant 320 : i32
    %add3A_11 = arith.addi %mul3A_2, %add3A_10 : i32
    "tpu.region"() ({
      %run_scoped3A = tpu.sem_alloc : memref<!tpu.dma_semaphore, #tpu.memory_space<semaphore_mem>>
      %dma_start3A = arith.constant 0 : i32
      %dma_start3A_66 = tpu.memref_slice %arg15[%add3A_11, %dma_start3A] : memref<10240x128xf32, #tpu.memory_space<vmem_shared>> -> memref<80x128xf32, #tpu.memory_space<vmem_shared>>
      %dma_start3A_67 = arith.constant 0 : i32
      %dma_start3A_68 = tpu.memref_slice %arg15[%add3A_11, %dma_start3A_67] : memref<10240x128xf32, #tpu.memory_space<vmem_shared>> -> memref<80x128xf32, #tpu.memory_space<vmem_shared>>
      tpu.enqueue_dma source(%arg14 : memref<80x128xf32, #tpu.memory_space<vmem>>) target(%dma_start3A_68 : memref<80x128xf32, #tpu.memory_space<vmem_shared>>) target_semaphore(%run_scoped3A : memref<!tpu.dma_semaphore, #tpu.memory_space<semaphore_mem>>)
      %dma_wait3A = arith.constant 0 : i32
      %dma_wait3A_69 = tpu.memref_slice %arg15[%add3A_11, %dma_wait3A] : memref<10240x128xf32, #tpu.memory_space<vmem_shared>> -> memref<80x128xf32, #tpu.memory_space<vmem_shared>>
      %dma_wait3A_70 = arith.constant 0 : i32
      %dma_wait3A_71 = tpu.memref_slice %arg15[%add3A_11, %dma_wait3A_70] : memref<10240x128xf32, #tpu.memory_space<vmem_shared>> -> memref<80x128xf32, #tpu.memory_space<vmem_shared>>
      tpu.wait_dma2 semaphore(%run_scoped3A : memref<!tpu.dma_semaphore, #tpu.memory_space<semaphore_mem>>) src(%arg14 : memref<80x128xf32, #tpu.memory_space<vmem>>) dst(%dma_wait3A_71 : memref<80x128xf32, #tpu.memory_space<vmem_shared>>)
      tpu.yield
    }) : () -> ()
    %add3A_12 = arith.constant 400 : i32
    %add3A_13 = arith.addi %mul3A_2, %add3A_12 : i32
    "tpu.region"() ({
      %run_scoped3A = tpu.sem_alloc : memref<!tpu.dma_semaphore, #tpu.memory_space<semaphore_mem>>
      %dma_start3A = arith.constant 0 : i32
      %dma_start3A_66 = tpu.memref_slice %arg15[%add3A_13, %dma_start3A] : memref<10240x128xf32, #tpu.memory_space<vmem_shared>> -> memref<80x128xf32, #tpu.memory_space<vmem_shared>>
      %dma_start3A_67 = arith.constant 0 : i32
      %dma_start3A_68 = tpu.memref_slice %arg15[%add3A_13, %dma_start3A_67] : memref<10240x128xf32, #tpu.memory_space<vmem_shared>> -> memref<80x128xf32, #tpu.memory_space<vmem_shared>>
      tpu.enqueue_dma source(%arg14 : memref<80x128xf32, #tpu.memory_space<vmem>>) target(%dma_start3A_68 : memref<80x128xf32, #tpu.memory_space<vmem_shared>>) target_semaphore(%run_scoped3A : memref<!tpu.dma_semaphore, #tpu.memory_space<semaphore_mem>>)
      %dma_wait3A = arith.constant 0 : i32
      %dma_wait3A_69 = tpu.memref_slice %arg15[%add3A_13, %dma_wait3A] : memref<10240x128xf32, #tpu.memory_space<vmem_shared>> -> memref<80x128xf32, #tpu.memory_space<vmem_shared>>
      %dma_wait3A_70 = arith.constant 0 : i32
      %dma_wait3A_71 = tpu.memref_slice %arg15[%add3A_13, %dma_wait3A_70] : memref<10240x128xf32, #tpu.memory_space<vmem_shared>> -> memref<80x128xf32, #tpu.memory_space<vmem_shared>>
      tpu.wait_dma2 semaphore(%run_scoped3A : memref<!tpu.dma_semaphore, #tpu.memory_space<semaphore_mem>>) src(%arg14 : memref<80x128xf32, #tpu.memory_space<vmem>>) dst(%dma_wait3A_71 : memref<80x128xf32, #tpu.memory_space<vmem_shared>>)
      tpu.yield
    }) : () -> ()
    %add3A_14 = arith.constant 480 : i32
    %add3A_15 = arith.addi %mul3A_2, %add3A_14 : i32
    "tpu.region"() ({
      %run_scoped3A = tpu.sem_alloc : memref<!tpu.dma_semaphore, #tpu.memory_space<semaphore_mem>>
      %dma_start3A = arith.constant 0 : i32
      %dma_start3A_66 = tpu.memref_slice %arg15[%add3A_15, %dma_start3A] : memref<10240x128xf32, #tpu.memory_space<vmem_shared>> -> memref<80x128xf32, #tpu.memory_space<vmem_shared>>
      %dma_start3A_67 = arith.constant 0 : i32
      %dma_start3A_68 = tpu.memref_slice %arg15[%add3A_15, %dma_start3A_67] : memref<10240x128xf32, #tpu.memory_space<vmem_shared>> -> memref<80x128xf32, #tpu.memory_space<vmem_shared>>
      tpu.enqueue_dma source(%arg14 : memref<80x128xf32, #tpu.memory_space<vmem>>) target(%dma_start3A_68 : memref<80x128xf32, #tpu.memory_space<vmem_shared>>) target_semaphore(%run_scoped3A : memref<!tpu.dma_semaphore, #tpu.memory_space<semaphore_mem>>)
      %dma_wait3A = arith.constant 0 : i32
      %dma_wait3A_69 = tpu.memref_slice %arg15[%add3A_15, %dma_wait3A] : memref<10240x128xf32, #tpu.memory_space<vmem_shared>> -> memref<80x128xf32, #tpu.memory_space<vmem_shared>>
      %dma_wait3A_70 = arith.constant 0 : i32
      %dma_wait3A_71 = tpu.memref_slice %arg15[%add3A_15, %dma_wait3A_70] : memref<10240x128xf32, #tpu.memory_space<vmem_shared>> -> memref<80x128xf32, #tpu.memory_space<vmem_shared>>
      tpu.wait_dma2 semaphore(%run_scoped3A : memref<!tpu.dma_semaphore, #tpu.memory_space<semaphore_mem>>) src(%arg14 : memref<80x128xf32, #tpu.memory_space<vmem>>) dst(%dma_wait3A_71 : memref<80x128xf32, #tpu.memory_space<vmem_shared>>)
      tpu.yield
    }) : () -> ()
    %add3A_16 = arith.constant 560 : i32
    %add3A_17 = arith.addi %mul3A_2, %add3A_16 : i32
    "tpu.region"() ({
      %run_scoped3A = tpu.sem_alloc : memref<!tpu.dma_semaphore, #tpu.memory_space<semaphore_mem>>
      %dma_start3A = arith.constant 0 : i32
      %dma_start3A_66 = tpu.memref_slice %arg15[%add3A_17, %dma_start3A] : memref<10240x128xf32, #tpu.memory_space<vmem_shared>> -> memref<80x128xf32, #tpu.memory_space<vmem_shared>>
      %dma_start3A_67 = arith.constant 0 : i32
      %dma_start3A_68 = tpu.memref_slice %arg15[%add3A_17, %dma_start3A_67] : memref<10240x128xf32, #tpu.memory_space<vmem_shared>> -> memref<80x128xf32, #tpu.memory_space<vmem_shared>>
      tpu.enqueue_dma source(%arg14 : memref<80x128xf32, #tpu.memory_space<vmem>>) target(%dma_start3A_68 : memref<80x128xf32, #tpu.memory_space<vmem_shared>>) target_semaphore(%run_scoped3A : memref<!tpu.dma_semaphore, #tpu.memory_space<semaphore_mem>>)
      %dma_wait3A = arith.constant 0 : i32
      %dma_wait3A_69 = tpu.memref_slice %arg15[%add3A_17, %dma_wait3A] : memref<10240x128xf32, #tpu.memory_space<vmem_shared>> -> memref<80x128xf32, #tpu.memory_space<vmem_shared>>
      %dma_wait3A_70 = arith.constant 0 : i32
      %dma_wait3A_71 = tpu.memref_slice %arg15[%add3A_17, %dma_wait3A_70] : memref<10240x128xf32, #tpu.memory_space<vmem_shared>> -> memref<80x128xf32, #tpu.memory_space<vmem_shared>>
      tpu.wait_dma2 semaphore(%run_scoped3A : memref<!tpu.dma_semaphore, #tpu.memory_space<semaphore_mem>>) src(%arg14 : memref<80x128xf32, #tpu.memory_space<vmem>>) dst(%dma_wait3A_71 : memref<80x128xf32, #tpu.memory_space<vmem_shared>>)
      tpu.yield
    }) : () -> ()
    %barrier3A = arith.constant 0 : index
    tpu.barrier barrier_id(%barrier3A)
    %mul3A_18 = arith.constant 160000 : i32
    %mul3A_19 = arith.muli %arg0, %mul3A_18 : i32
    %mul3A_20 = arith.constant 10000 : i32
    %mul3A_21 = arith.muli %arg1, %mul3A_20 : i32
    %add3A_22 = arith.addi %mul3A_19, %mul3A_21 : i32
    %scan3A = arith.constant 0 : i32
    %scan3A_23 = arith.constant 0 : i32
    %scan3A_24 = arith.constant 5 : i32
    %scan3A_25 = arith.addi %scan3A_23, %scan3A_24 : i32
    %scan3A_26 = arith.constant 1 : i32
    scf.for %scan3A_66 = %scan3A_23 to %scan3A_25 step %scan3A_26  : i32 {
      %mul3A_67 = arith.constant 2000 : i32
      %mul3A_68 = arith.muli %scan3A_66, %mul3A_67 : i32
      %add3A_69 = arith.addi %add3A_22, %mul3A_68 : i32
      "tpu.region"() ({
        %run_scoped3A = tpu.sem_alloc : memref<!tpu.dma_semaphore, #tpu.memory_space<semaphore_mem>>
        %dma_start3A = tpu.memref_slice %arg3[%add3A_69] : memref<320000xi32, #tpu.memory_space<hbm>> -> memref<2000xi32, #tpu.memory_space<hbm>>
        %dma_start3A_76 = tpu.memref_slice %arg3[%add3A_69] : memref<320000xi32, #tpu.memory_space<hbm>> -> memref<2000xi32, #tpu.memory_space<hbm>>
        tpu.enqueue_dma source(%dma_start3A_76 : memref<2000xi32, #tpu.memory_space<hbm>>) target(%arg8 : memref<2000xi32, #tpu.memory_space<vmem>>) target_semaphore(%run_scoped3A : memref<!tpu.dma_semaphore, #tpu.memory_space<semaphore_mem>>)
        %dma_wait3A = tpu.memref_slice %arg3[%add3A_69] : memref<320000xi32, #tpu.memory_space<hbm>> -> memref<2000xi32, #tpu.memory_space<hbm>>
        %dma_wait3A_77 = tpu.memref_slice %arg3[%add3A_69] : memref<320000xi32, #tpu.memory_space<hbm>> -> memref<2000xi32, #tpu.memory_space<hbm>>
        tpu.wait_dma2 semaphore(%run_scoped3A : memref<!tpu.dma_semaphore, #tpu.memory_space<semaphore_mem>>) src(%dma_wait3A_77 : memref<2000xi32, #tpu.memory_space<hbm>>) dst(%arg8 : memref<2000xi32, #tpu.memory_space<vmem>>)
        tpu.yield
      }) : () -> ()
      "tpu.region"() ({
        %run_scoped3A = tpu.sem_alloc : memref<!tpu.dma_semaphore, #tpu.memory_space<semaphore_mem>>
        %dma_start3A = tpu.memref_slice %arg4[%add3A_69] : memref<320000xi32, #tpu.memory_space<hbm>> -> memref<2000xi32, #tpu.memory_space<hbm>>
        %dma_start3A_76 = tpu.memref_slice %arg4[%add3A_69] : memref<320000xi32, #tpu.memory_space<hbm>> -> memref<2000xi32, #tpu.memory_space<hbm>>
        tpu.enqueue_dma source(%dma_start3A_76 : memref<2000xi32, #tpu.memory_space<hbm>>) target(%arg9 : memref<2000xi32, #tpu.memory_space<vmem>>) target_semaphore(%run_scoped3A : memref<!tpu.dma_semaphore, #tpu.memory_space<semaphore_mem>>)
        %dma_wait3A = tpu.memref_slice %arg4[%add3A_69] : memref<320000xi32, #tpu.memory_space<hbm>> -> memref<2000xi32, #tpu.memory_space<hbm>>
        %dma_wait3A_77 = tpu.memref_slice %arg4[%add3A_69] : memref<320000xi32, #tpu.memory_space<hbm>> -> memref<2000xi32, #tpu.memory_space<hbm>>
        tpu.wait_dma2 semaphore(%run_scoped3A : memref<!tpu.dma_semaphore, #tpu.memory_space<semaphore_mem>>) src(%dma_wait3A_77 : memref<2000xi32, #tpu.memory_space<hbm>>) dst(%arg9 : memref<2000xi32, #tpu.memory_space<vmem>>)
        tpu.yield
      }) : () -> ()
      "tpu.region"() ({
        %run_scoped3A = tpu.sem_alloc : memref<!tpu.dma_semaphore, #tpu.memory_space<semaphore_mem>>
        %dma_start3A = tpu.memref_slice %arg5[%add3A_69] : memref<320000xf32, #tpu.memory_space<hbm>> -> memref<2000xf32, #tpu.memory_space<hbm>>
        %dma_start3A_76 = tpu.memref_slice %arg5[%add3A_69] : memref<320000xf32, #tpu.memory_space<hbm>> -> memref<2000xf32, #tpu.memory_space<hbm>>
        tpu.enqueue_dma source(%dma_start3A_76 : memref<2000xf32, #tpu.memory_space<hbm>>) target(%arg10 : memref<2000xf32, #tpu.memory_space<vmem>>) target_semaphore(%run_scoped3A : memref<!tpu.dma_semaphore, #tpu.memory_space<semaphore_mem>>)
        %dma_wait3A = tpu.memref_slice %arg5[%add3A_69] : memref<320000xf32, #tpu.memory_space<hbm>> -> memref<2000xf32, #tpu.memory_space<hbm>>
        %dma_wait3A_77 = tpu.memref_slice %arg5[%add3A_69] : memref<320000xf32, #tpu.memory_space<hbm>> -> memref<2000xf32, #tpu.memory_space<hbm>>
        tpu.wait_dma2 semaphore(%run_scoped3A : memref<!tpu.dma_semaphore, #tpu.memory_space<semaphore_mem>>) src(%dma_wait3A_77 : memref<2000xf32, #tpu.memory_space<hbm>>) dst(%arg10 : memref<2000xf32, #tpu.memory_space<vmem>>)
        tpu.yield
      }) : () -> ()
      %scan3A_70 = arith.constant 0 : i32
      %scan3A_71 = arith.constant 0 : i32
      %scan3A_72 = arith.constant 25 : i32
      %scan3A_73 = arith.addi %scan3A_71, %scan3A_72 : i32
      %scan3A_74 = arith.constant 1 : i32
      scf.for %scan3A_76 = %scan3A_71 to %scan3A_73 step %scan3A_74  : i32 {
        %mul3A_77 = arith.constant 80 : i32
        %mul3A_78 = arith.muli %scan3A_76, %mul3A_77 : i32
        %add3A_79 = arith.constant 0 : i32
        %add3A_80 = arith.addi %mul3A_78, %add3A_79 : i32
        %get3A = arith.index_cast %add3A_80 : i32 to index
        %get3A_81 = tpu.vector_load %arg8[%get3A] {strides = array<i32>} : memref<2000xi32, #tpu.memory_space<vmem>>, vector<16xi32>,
        %get3A_82 = vector.shape_cast %get3A_81 : vector<16xi32> to vector<16xi32>
        %swap3A = arith.constant 0 : index
        %swap3A_83 = tpu.vector_load %arg11[%swap3A] {strides = array<i32>} : memref<80xi32, #tpu.memory_space<vmem>>, vector<16xi32>,
        %swap3A_84 = vector.shape_cast %swap3A_83 : vector<16xi32> to vector<16xi32>
        %swap3A_85 = vector.shape_cast %get3A_82 : vector<16xi32> to vector<16xi32>
        tpu.vector_store %arg11[%swap3A], %swap3A_85 {strides = array<i32>} : memref<80xi32, #tpu.memory_space<vmem>>, vector<16xi32>,
        %add3A_86 = arith.constant 0 : i32
        %add3A_87 = arith.addi %mul3A_78, %add3A_86 : i32
        %get3A_88 = arith.index_cast %add3A_87 : i32 to index
        %get3A_89 = tpu.vector_load %arg9[%get3A_88] {strides = array<i32>} : memref<2000xi32, #tpu.memory_space<vmem>>, vector<16xi32>,
        %get3A_90 = vector.shape_cast %get3A_89 : vector<16xi32> to vector<16xi32>
        %swap3A_91 = arith.constant 0 : index
        %swap3A_92 = tpu.vector_load %arg12[%swap3A_91] {strides = array<i32>} : memref<80xi32, #tpu.memory_space<vmem>>, vector<16xi32>,
        %swap3A_93 = vector.shape_cast %swap3A_92 : vector<16xi32> to vector<16xi32>
        %swap3A_94 = vector.shape_cast %get3A_90 : vector<16xi32> to vector<16xi32>
        tpu.vector_store %arg12[%swap3A_91], %swap3A_94 {strides = array<i32>} : memref<80xi32, #tpu.memory_space<vmem>>, vector<16xi32>,
        %add3A_95 = arith.constant 16 : i32
        %add3A_96 = arith.addi %mul3A_78, %add3A_95 : i32
        %get3A_97 = arith.index_cast %add3A_96 : i32 to index
        %get3A_98 = tpu.vector_load %arg8[%get3A_97] {strides = array<i32>} : memref<2000xi32, #tpu.memory_space<vmem>>, vector<16xi32>,
        %get3A_99 = vector.shape_cast %get3A_98 : vector<16xi32> to vector<16xi32>
        %swap3A_100 = arith.constant 16 : index
        %swap3A_101 = tpu.vector_load %arg11[%swap3A_100] {strides = array<i32>} : memref<80xi32, #tpu.memory_space<vmem>>, vector<16xi32>,
        %swap3A_102 = vector.shape_cast %swap3A_101 : vector<16xi32> to vector<16xi32>
        %swap3A_103 = vector.shape_cast %get3A_99 : vector<16xi32> to vector<16xi32>
        tpu.vector_store %arg11[%swap3A_100], %swap3A_103 {strides = array<i32>} : memref<80xi32, #tpu.memory_space<vmem>>, vector<16xi32>,
        %add3A_104 = arith.constant 16 : i32
        %add3A_105 = arith.addi %mul3A_78, %add3A_104 : i32
        %get3A_106 = arith.index_cast %add3A_105 : i32 to index
        %get3A_107 = tpu.vector_load %arg9[%get3A_106] {strides = array<i32>} : memref<2000xi32, #tpu.memory_space<vmem>>, vector<16xi32>,
        %get3A_108 = vector.shape_cast %get3A_107 : vector<16xi32> to vector<16xi32>
        %swap3A_109 = arith.constant 16 : index
        %swap3A_110 = tpu.vector_load %arg12[%swap3A_109] {strides = array<i32>} : memref<80xi32, #tpu.memory_space<vmem>>, vector<16xi32>,
        %swap3A_111 = vector.shape_cast %swap3A_110 : vector<16xi32> to vector<16xi32>
        %swap3A_112 = vector.shape_cast %get3A_108 : vector<16xi32> to vector<16xi32>
        tpu.vector_store %arg12[%swap3A_109], %swap3A_112 {strides = array<i32>} : memref<80xi32, #tpu.memory_space<vmem>>, vector<16xi32>,
        %add3A_113 = arith.constant 32 : i32
        %add3A_114 = arith.addi %mul3A_78, %add3A_113 : i32
        %get3A_115 = arith.index_cast %add3A_114 : i32 to index
        %get3A_116 = tpu.vector_load %arg8[%get3A_115] {strides = array<i32>} : memref<2000xi32, #tpu.memory_space<vmem>>, vector<16xi32>,
        %get3A_117 = vector.shape_cast %get3A_116 : vector<16xi32> to vector<16xi32>
        %swap3A_118 = arith.constant 32 : index
        %swap3A_119 = tpu.vector_load %arg11[%swap3A_118] {strides = array<i32>} : memref<80xi32, #tpu.memory_space<vmem>>, vector<16xi32>,
        %swap3A_120 = vector.shape_cast %swap3A_119 : vector<16xi32> to vector<16xi32>
        %swap3A_121 = vector.shape_cast %get3A_117 : vector<16xi32> to vector<16xi32>
        tpu.vector_store %arg11[%swap3A_118], %swap3A_121 {strides = array<i32>} : memref<80xi32, #tpu.memory_space<vmem>>, vector<16xi32>,
        %add3A_122 = arith.constant 32 : i32
        %add3A_123 = arith.addi %mul3A_78, %add3A_122 : i32
        %get3A_124 = arith.index_cast %add3A_123 : i32 to index
        %get3A_125 = tpu.vector_load %arg9[%get3A_124] {strides = array<i32>} : memref<2000xi32, #tpu.memory_space<vmem>>, vector<16xi32>,
        %get3A_126 = vector.shape_cast %get3A_125 : vector<16xi32> to vector<16xi32>
        %swap3A_127 = arith.constant 32 : index
        %swap3A_128 = tpu.vector_load %arg12[%swap3A_127] {strides = array<i32>} : memref<80xi32, #tpu.memory_space<vmem>>, vector<16xi32>,
        %swap3A_129 = vector.shape_cast %swap3A_128 : vector<16xi32> to vector<16xi32>
        %swap3A_130 = vector.shape_cast %get3A_126 : vector<16xi32> to vector<16xi32>
        tpu.vector_store %arg12[%swap3A_127], %swap3A_130 {strides = array<i32>} : memref<80xi32, #tpu.memory_space<vmem>>, vector<16xi32>,
        %add3A_131 = arith.constant 48 : i32
        %add3A_132 = arith.addi %mul3A_78, %add3A_131 : i32
        %get3A_133 = arith.index_cast %add3A_132 : i32 to index
        %get3A_134 = tpu.vector_load %arg8[%get3A_133] {strides = array<i32>} : memref<2000xi32, #tpu.memory_space<vmem>>, vector<16xi32>,
        %get3A_135 = vector.shape_cast %get3A_134 : vector<16xi32> to vector<16xi32>
        %swap3A_136 = arith.constant 48 : index
        %swap3A_137 = tpu.vector_load %arg11[%swap3A_136] {strides = array<i32>} : memref<80xi32, #tpu.memory_space<vmem>>, vector<16xi32>,
        %swap3A_138 = vector.shape_cast %swap3A_137 : vector<16xi32> to vector<16xi32>
        %swap3A_139 = vector.shape_cast %get3A_135 : vector<16xi32> to vector<16xi32>
        tpu.vector_store %arg11[%swap3A_136], %swap3A_139 {strides = array<i32>} : memref<80xi32, #tpu.memory_space<vmem>>, vector<16xi32>,
        %add3A_140 = arith.constant 48 : i32
        %add3A_141 = arith.addi %mul3A_78, %add3A_140 : i32
        %get3A_142 = arith.index_cast %add3A_141 : i32 to index
        %get3A_143 = tpu.vector_load %arg9[%get3A_142] {strides = array<i32>} : memref<2000xi32, #tpu.memory_space<vmem>>, vector<16xi32>,
        %get3A_144 = vector.shape_cast %get3A_143 : vector<16xi32> to vector<16xi32>
        %swap3A_145 = arith.constant 48 : index
        %swap3A_146 = tpu.vector_load %arg12[%swap3A_145] {strides = array<i32>} : memref<80xi32, #tpu.memory_space<vmem>>, vector<16xi32>,
        %swap3A_147 = vector.shape_cast %swap3A_146 : vector<16xi32> to vector<16xi32>
        %swap3A_148 = vector.shape_cast %get3A_144 : vector<16xi32> to vector<16xi32>
        tpu.vector_store %arg12[%swap3A_145], %swap3A_148 {strides = array<i32>} : memref<80xi32, #tpu.memory_space<vmem>>, vector<16xi32>,
        %add3A_149 = arith.constant 64 : i32
        %add3A_150 = arith.addi %mul3A_78, %add3A_149 : i32
        %get3A_151 = arith.index_cast %add3A_150 : i32 to index
        %get3A_152 = tpu.vector_load %arg8[%get3A_151] {strides = array<i32>} : memref<2000xi32, #tpu.memory_space<vmem>>, vector<16xi32>,
        %get3A_153 = vector.shape_cast %get3A_152 : vector<16xi32> to vector<16xi32>
        %swap3A_154 = arith.constant 64 : index
        %swap3A_155 = tpu.vector_load %arg11[%swap3A_154] {strides = array<i32>} : memref<80xi32, #tpu.memory_space<vmem>>, vector<16xi32>,
        %swap3A_156 = vector.shape_cast %swap3A_155 : vector<16xi32> to vector<16xi32>
        %swap3A_157 = vector.shape_cast %get3A_153 : vector<16xi32> to vector<16xi32>
        tpu.vector_store %arg11[%swap3A_154], %swap3A_157 {strides = array<i32>} : memref<80xi32, #tpu.memory_space<vmem>>, vector<16xi32>,
        %add3A_158 = arith.constant 64 : i32
        %add3A_159 = arith.addi %mul3A_78, %add3A_158 : i32
        %get3A_160 = arith.index_cast %add3A_159 : i32 to index
        %get3A_161 = tpu.vector_load %arg9[%get3A_160] {strides = array<i32>} : memref<2000xi32, #tpu.memory_space<vmem>>, vector<16xi32>,
        %get3A_162 = vector.shape_cast %get3A_161 : vector<16xi32> to vector<16xi32>
        %swap3A_163 = arith.constant 64 : index
        %swap3A_164 = tpu.vector_load %arg12[%swap3A_163] {strides = array<i32>} : memref<80xi32, #tpu.memory_space<vmem>>, vector<16xi32>,
        %swap3A_165 = vector.shape_cast %swap3A_164 : vector<16xi32> to vector<16xi32>
        %swap3A_166 = vector.shape_cast %get3A_162 : vector<16xi32> to vector<16xi32>
        tpu.vector_store %arg12[%swap3A_163], %swap3A_166 {strides = array<i32>} : memref<80xi32, #tpu.memory_space<vmem>>, vector<16xi32>,
        %dma_start3A = arith.constant 0 : i32
        %dma_start3A_167 = arith.constant 0 : i32
        %dma_start3A_168 = tpu.memref_slice %arg2[%dma_start3A, %dma_start3A_167] : memref<10000x128xf32, #tpu.memory_space<hbm>> -> memref<10000x128xf32, #tpu.memory_space<hbm>>
        tpu.enqueue_indirect_dma source(%dma_start3A_168 : memref<10000x128xf32, #tpu.memory_space<hbm>>) target(%arg13 : memref<80x128xf32, #tpu.memory_space<vmem>>) offsets(%arg11 : memref<80xi32, #tpu.memory_space<vmem>>) semaphore(%arg16 : memref<!tpu.dma_semaphore, #tpu.memory_space<semaphore_mem>>)
        %dma_wait3A = arith.constant 0 : i32
        %dma_wait3A_169 = arith.constant 0 : i32
        %dma_wait3A_170 = tpu.memref_slice %arg2[%dma_wait3A, %dma_wait3A_169] : memref<10000x128xf32, #tpu.memory_space<hbm>> -> memref<10000x128xf32, #tpu.memory_space<hbm>>
        tpu.wait_indirect_dma semaphore(%arg16 : memref<!tpu.dma_semaphore, #tpu.memory_space<semaphore_mem>>) src(%dma_wait3A_170 : memref<10000x128xf32, #tpu.memory_space<hbm>>) dst(%arg13 : memref<80x128xf32, #tpu.memory_space<vmem>>)
        %scan3A_171 = arith.constant 0 : i32
        %scan3A_172 = arith.constant 0 : i32
        %scan3A_173 = arith.constant 5 : i32
        %scan3A_174 = arith.addi %scan3A_172, %scan3A_173 : i32
        %scan3A_175 = arith.constant 1 : i32
        scf.for %scan3A_177 = %scan3A_172 to %scan3A_174 step %scan3A_175  : i32 {
          %mul3A_178 = arith.constant 16 : i32
          %mul3A_179 = arith.muli %scan3A_177, %mul3A_178 : i32
          %add3A_180 = arith.addi %mul3A_78, %mul3A_179 : i32
          %get3A_181 = arith.index_cast %add3A_180 : i32 to index
          %get3A_182 = tpu.vector_load %arg10[%get3A_181] {strides = array<i32>} : memref<2000xf32, #tpu.memory_space<vmem>>, vector<16xf32>,
          %get3A_183 = vector.shape_cast %get3A_182 : vector<16xf32> to vector<16xf32>
          %scan3A_184 = arith.constant 0 : i32
          %scan3A_185 = arith.constant 16 : i32
          %scan3A_186 = arith.addi %scan3A_184, %scan3A_185 : i32
          %scan3A_187 = arith.constant 1 : i32
          scf.for %scan3A_189 = %scan3A_184 to %scan3A_186 step %scan3A_187  : i32 {
            %broadcast_in_dim3A = vector.broadcast %scan3A_189 : i32 to vector<16x1xi32>
            %gather3A = vector.shape_cast %broadcast_in_dim3A : vector<16x1xi32> to vector<16xi32>
            %gather3A_190 = tpu.dynamic_gather %get3A_183[%gather3A] in [0] : vector<16xf32>, vector<16xi32> -> vector<16xf32>
            %mul3A_191 = arith.constant 16 : i32
            %mul3A_192 = arith.muli %scan3A_177, %mul3A_191 : i32
            %add3A_193 = arith.addi %mul3A_192, %scan3A_189 : i32
            %get3A_194 = arith.index_cast %add3A_193 : i32 to index
            %get3A_195 = arith.constant 0 : index
            %get3A_196 = tpu.vector_load %arg13[%get3A_194, %get3A_195] {strides = array<i32>} : memref<80x128xf32, #tpu.memory_space<vmem>>, vector<1x16xf32>,
            %get3A_197 = vector.shape_cast %get3A_196 : vector<1x16xf32> to vector<16xf32>
            %mul3A_198 = arith.mulf %get3A_197, %gather3A_190 : vector<16xf32>
            %swap3A_199 = arith.index_cast %add3A_193 : i32 to index
            %swap3A_200 = arith.constant 0 : index
            %swap3A_201 = tpu.vector_load %arg13[%swap3A_199, %swap3A_200] {strides = array<i32>} : memref<80x128xf32, #tpu.memory_space<vmem>>, vector<1x16xf32>,
            %swap3A_202 = vector.shape_cast %swap3A_201 : vector<1x16xf32> to vector<16xf32>
            %swap3A_203 = vector.shape_cast %mul3A_198 : vector<16xf32> to vector<1x16xf32>
            tpu.vector_store %arg13[%swap3A_199, %swap3A_200], %swap3A_203 {strides = array<i32>} : memref<80x128xf32, #tpu.memory_space<vmem>>, vector<1x16xf32>,
            %get3A_204 = arith.index_cast %add3A_193 : i32 to index
            %get3A_205 = arith.constant 16 : index
            %get3A_206 = tpu.vector_load %arg13[%get3A_204, %get3A_205] {strides = array<i32>} : memref<80x128xf32, #tpu.memory_space<vmem>>, vector<1x16xf32>,
            %get3A_207 = vector.shape_cast %get3A_206 : vector<1x16xf32> to vector<16xf32>
            %mul3A_208 = arith.mulf %get3A_207, %gather3A_190 : vector<16xf32>
            %swap3A_209 = arith.index_cast %add3A_193 : i32 to index
            %swap3A_210 = arith.constant 16 : index
            %swap3A_211 = tpu.vector_load %arg13[%swap3A_209, %swap3A_210] {strides = array<i32>} : memref<80x128xf32, #tpu.memory_space<vmem>>, vector<1x16xf32>,
            %swap3A_212 = vector.shape_cast %swap3A_211 : vector<1x16xf32> to vector<16xf32>
            %swap3A_213 = vector.shape_cast %mul3A_208 : vector<16xf32> to vector<1x16xf32>
            tpu.vector_store %arg13[%swap3A_209, %swap3A_210], %swap3A_213 {strides = array<i32>} : memref<80x128xf32, #tpu.memory_space<vmem>>, vector<1x16xf32>,
            %get3A_214 = arith.index_cast %add3A_193 : i32 to index
            %get3A_215 = arith.constant 32 : index
            %get3A_216 = tpu.vector_load %arg13[%get3A_214, %get3A_215] {strides = array<i32>} : memref<80x128xf32, #tpu.memory_space<vmem>>, vector<1x16xf32>,
            %get3A_217 = vector.shape_cast %get3A_216 : vector<1x16xf32> to vector<16xf32>
            %mul3A_218 = arith.mulf %get3A_217, %gather3A_190 : vector<16xf32>
            %swap3A_219 = arith.index_cast %add3A_193 : i32 to index
            %swap3A_220 = arith.constant 32 : index
            %swap3A_221 = tpu.vector_load %arg13[%swap3A_219, %swap3A_220] {strides = array<i32>} : memref<80x128xf32, #tpu.memory_space<vmem>>, vector<1x16xf32>,
            %swap3A_222 = vector.shape_cast %swap3A_221 : vector<1x16xf32> to vector<16xf32>
            %swap3A_223 = vector.shape_cast %mul3A_218 : vector<16xf32> to vector<1x16xf32>
            tpu.vector_store %arg13[%swap3A_219, %swap3A_220], %swap3A_223 {strides = array<i32>} : memref<80x128xf32, #tpu.memory_space<vmem>>, vector<1x16xf32>,
            %get3A_224 = arith.index_cast %add3A_193 : i32 to index
            %get3A_225 = arith.constant 48 : index
            %get3A_226 = tpu.vector_load %arg13[%get3A_224, %get3A_225] {strides = array<i32>} : memref<80x128xf32, #tpu.memory_space<vmem>>, vector<1x16xf32>,
            %get3A_227 = vector.shape_cast %get3A_226 : vector<1x16xf32> to vector<16xf32>
            %mul3A_228 = arith.mulf %get3A_227, %gather3A_190 : vector<16xf32>
            %swap3A_229 = arith.index_cast %add3A_193 : i32 to index
            %swap3A_230 = arith.constant 48 : index
            %swap3A_231 = tpu.vector_load %arg13[%swap3A_229, %swap3A_230] {strides = array<i32>} : memref<80x128xf32, #tpu.memory_space<vmem>>, vector<1x16xf32>,
            %swap3A_232 = vector.shape_cast %swap3A_231 : vector<1x16xf32> to vector<16xf32>
            %swap3A_233 = vector.shape_cast %mul3A_228 : vector<16xf32> to vector<1x16xf32>
            tpu.vector_store %arg13[%swap3A_229, %swap3A_230], %swap3A_233 {strides = array<i32>} : memref<80x128xf32, #tpu.memory_space<vmem>>, vector<1x16xf32>,
            %get3A_234 = arith.index_cast %add3A_193 : i32 to index
            %get3A_235 = arith.constant 64 : index
            %get3A_236 = tpu.vector_load %arg13[%get3A_234, %get3A_235] {strides = array<i32>} : memref<80x128xf32, #tpu.memory_space<vmem>>, vector<1x16xf32>,
            %get3A_237 = vector.shape_cast %get3A_236 : vector<1x16xf32> to vector<16xf32>
            %mul3A_238 = arith.mulf %get3A_237, %gather3A_190 : vector<16xf32>
            %swap3A_239 = arith.index_cast %add3A_193 : i32 to index
            %swap3A_240 = arith.constant 64 : index
            %swap3A_241 = tpu.vector_load %arg13[%swap3A_239, %swap3A_240] {strides = array<i32>} : memref<80x128xf32, #tpu.memory_space<vmem>>, vector<1x16xf32>,
            %swap3A_242 = vector.shape_cast %swap3A_241 : vector<1x16xf32> to vector<16xf32>
            %swap3A_243 = vector.shape_cast %mul3A_238 : vector<16xf32> to vector<1x16xf32>
            tpu.vector_store %arg13[%swap3A_239, %swap3A_240], %swap3A_243 {strides = array<i32>} : memref<80x128xf32, #tpu.memory_space<vmem>>, vector<1x16xf32>,
            %get3A_244 = arith.index_cast %add3A_193 : i32 to index
            %get3A_245 = arith.constant 80 : index
            %get3A_246 = tpu.vector_load %arg13[%get3A_244, %get3A_245] {strides = array<i32>} : memref<80x128xf32, #tpu.memory_space<vmem>>, vector<1x16xf32>,
            %get3A_247 = vector.shape_cast %get3A_246 : vector<1x16xf32> to vector<16xf32>
            %mul3A_248 = arith.mulf %get3A_247, %gather3A_190 : vector<16xf32>
            %swap3A_249 = arith.index_cast %add3A_193 : i32 to index
            %swap3A_250 = arith.constant 80 : index
            %swap3A_251 = tpu.vector_load %arg13[%swap3A_249, %swap3A_250] {strides = array<i32>} : memref<80x128xf32, #tpu.memory_space<vmem>>, vector<1x16xf32>,
            %swap3A_252 = vector.shape_cast %swap3A_251 : vector<1x16xf32> to vector<16xf32>
            %swap3A_253 = vector.shape_cast %mul3A_248 : vector<16xf32> to vector<1x16xf32>
            tpu.vector_store %arg13[%swap3A_249, %swap3A_250], %swap3A_253 {strides = array<i32>} : memref<80x128xf32, #tpu.memory_space<vmem>>, vector<1x16xf32>,
            %get3A_254 = arith.index_cast %add3A_193 : i32 to index
            %get3A_255 = arith.constant 96 : index
            %get3A_256 = tpu.vector_load %arg13[%get3A_254, %get3A_255] {strides = array<i32>} : memref<80x128xf32, #tpu.memory_space<vmem>>, vector<1x16xf32>,
            %get3A_257 = vector.shape_cast %get3A_256 : vector<1x16xf32> to vector<16xf32>
            %mul3A_258 = arith.mulf %get3A_257, %gather3A_190 : vector<16xf32>
            %swap3A_259 = arith.index_cast %add3A_193 : i32 to index
            %swap3A_260 = arith.constant 96 : index
            %swap3A_261 = tpu.vector_load %arg13[%swap3A_259, %swap3A_260] {strides = array<i32>} : memref<80x128xf32, #tpu.memory_space<vmem>>, vector<1x16xf32>,
            %swap3A_262 = vector.shape_cast %swap3A_261 : vector<1x16xf32> to vector<16xf32>
            %swap3A_263 = vector.shape_cast %mul3A_258 : vector<16xf32> to vector<1x16xf32>
            tpu.vector_store %arg13[%swap3A_259, %swap3A_260], %swap3A_263 {strides = array<i32>} : memref<80x128xf32, #tpu.memory_space<vmem>>, vector<1x16xf32>,
            %get3A_264 = arith.index_cast %add3A_193 : i32 to index
            %get3A_265 = arith.constant 112 : index
            %get3A_266 = tpu.vector_load %arg13[%get3A_264, %get3A_265] {strides = array<i32>} : memref<80x128xf32, #tpu.memory_space<vmem>>, vector<1x16xf32>,
            %get3A_267 = vector.shape_cast %get3A_266 : vector<1x16xf32> to vector<16xf32>
            %mul3A_268 = arith.mulf %get3A_267, %gather3A_190 : vector<16xf32>
            %swap3A_269 = arith.index_cast %add3A_193 : i32 to index
            %swap3A_270 = arith.constant 112 : index
            %swap3A_271 = tpu.vector_load %arg13[%swap3A_269, %swap3A_270] {strides = array<i32>} : memref<80x128xf32, #tpu.memory_space<vmem>>, vector<1x16xf32>,
            %swap3A_272 = vector.shape_cast %swap3A_271 : vector<1x16xf32> to vector<16xf32>
            %swap3A_273 = vector.shape_cast %mul3A_268 : vector<16xf32> to vector<1x16xf32>
            tpu.vector_store %arg13[%swap3A_269, %swap3A_270], %swap3A_273 {strides = array<i32>} : memref<80x128xf32, #tpu.memory_space<vmem>>, vector<1x16xf32>,
          }
          %scan3A_188 = arith.constant 16 : i32
        }
        %scan3A_176 = arith.constant 5 : i32
        "tpu.region"() ({
          %run_scoped3A = tpu.sem_alloc : memref<!tpu.dma_semaphore, #tpu.memory_space<semaphore_mem>>
          %dma_start3A_177 = arith.constant 0 : i32
          %dma_start3A_178 = arith.constant 0 : i32
          %dma_start3A_179 = tpu.memref_slice %arg15[%dma_start3A_177, %dma_start3A_178] : memref<10240x128xf32, #tpu.memory_space<vmem_shared>> -> memref<10240x128xf32, #tpu.memory_space<vmem_shared>>
          tpu.enqueue_indirect_dma source(%arg13 : memref<80x128xf32, #tpu.memory_space<vmem>>) target(%dma_start3A_179 : memref<10240x128xf32, #tpu.memory_space<vmem_shared>>) offsets(%arg12 : memref<80xi32, #tpu.memory_space<vmem>>) semaphore(%run_scoped3A : memref<!tpu.dma_semaphore, #tpu.memory_space<semaphore_mem>>) {add = true}
          %dma_wait3A_180 = arith.constant 0 : i32
          %dma_wait3A_181 = arith.constant 0 : i32
          %dma_wait3A_182 = tpu.memref_slice %arg15[%dma_wait3A_180, %dma_wait3A_181] : memref<10240x128xf32, #tpu.memory_space<vmem_shared>> -> memref<10240x128xf32, #tpu.memory_space<vmem_shared>>
          tpu.wait_indirect_dma semaphore(%run_scoped3A : memref<!tpu.dma_semaphore, #tpu.memory_space<semaphore_mem>>) src(%arg13 : memref<80x128xf32, #tpu.memory_space<vmem>>) dst(%dma_wait3A_182 : memref<10240x128xf32, #tpu.memory_space<vmem_shared>>)
          tpu.yield
        }) : () -> ()
      }
      %scan3A_75 = arith.constant 25 : i32
    }
    %scan3A_27 = arith.constant 5 : i32
    %barrier3A_28 = arith.constant 0 : index
    tpu.barrier barrier_id(%barrier3A_28)
    %mul3A_29 = arith.constant 10240 : i32
    %mul3A_30 = arith.muli %arg0, %mul3A_29 : i32
    %mul3A_31 = arith.constant 640 : i32
    %mul3A_32 = arith.muli %arg1, %mul3A_31 : i32
    %add3A_33 = arith.addi %mul3A_30, %mul3A_32 : i32
    %add3A_34 = arith.constant 0 : i32
    %add3A_35 = arith.addi %mul3A_2, %add3A_34 : i32
    %add3A_36 = arith.constant 0 : i32
    %add3A_37 = arith.addi %add3A_33, %add3A_36 : i32
    "tpu.region"() ({
      %run_scoped3A = tpu.sem_alloc : memref<!tpu.dma_semaphore, #tpu.memory_space<semaphore_mem>>
      %dma_start3A = arith.constant 0 : i32
      %dma_start3A_66 = tpu.memref_slice %arg7[%add3A_37, %dma_start3A] : memref<20480x128xf32, #tpu.memory_space<hbm>> -> memref<80x128xf32, #tpu.memory_space<hbm>>
      %dma_start3A_67 = arith.constant 0 : i32
      %dma_start3A_68 = tpu.memref_slice %arg15[%add3A_35, %dma_start3A_67] : memref<10240x128xf32, #tpu.memory_space<vmem_shared>> -> memref<80x128xf32, #tpu.memory_space<vmem_shared>>
      tpu.enqueue_dma source(%dma_start3A_68 : memref<80x128xf32, #tpu.memory_space<vmem_shared>>) target(%dma_start3A_66 : memref<80x128xf32, #tpu.memory_space<hbm>>) target_semaphore(%run_scoped3A : memref<!tpu.dma_semaphore, #tpu.memory_space<semaphore_mem>>)
      %dma_wait3A = arith.constant 0 : i32
      %dma_wait3A_69 = tpu.memref_slice %arg7[%add3A_37, %dma_wait3A] : memref<20480x128xf32, #tpu.memory_space<hbm>> -> memref<80x128xf32, #tpu.memory_space<hbm>>
      %dma_wait3A_70 = arith.constant 0 : i32
      %dma_wait3A_71 = tpu.memref_slice %arg15[%add3A_35, %dma_wait3A_70] : memref<10240x128xf32, #tpu.memory_space<vmem_shared>> -> memref<80x128xf32, #tpu.memory_space<vmem_shared>>
      tpu.wait_dma2 semaphore(%run_scoped3A : memref<!tpu.dma_semaphore, #tpu.memory_space<semaphore_mem>>) src(%dma_wait3A_71 : memref<80x128xf32, #tpu.memory_space<vmem_shared>>) dst(%dma_wait3A_69 : memref<80x128xf32, #tpu.memory_space<hbm>>)
      tpu.yield
    }) : () -> ()
    %add3A_38 = arith.constant 80 : i32
    %add3A_39 = arith.addi %mul3A_2, %add3A_38 : i32
    %add3A_40 = arith.constant 80 : i32
    %add3A_41 = arith.addi %add3A_33, %add3A_40 : i32
    "tpu.region"() ({
      %run_scoped3A = tpu.sem_alloc : memref<!tpu.dma_semaphore, #tpu.memory_space<semaphore_mem>>
      %dma_start3A = arith.constant 0 : i32
      %dma_start3A_66 = tpu.memref_slice %arg7[%add3A_41, %dma_start3A] : memref<20480x128xf32, #tpu.memory_space<hbm>> -> memref<80x128xf32, #tpu.memory_space<hbm>>
      %dma_start3A_67 = arith.constant 0 : i32
      %dma_start3A_68 = tpu.memref_slice %arg15[%add3A_39, %dma_start3A_67] : memref<10240x128xf32, #tpu.memory_space<vmem_shared>> -> memref<80x128xf32, #tpu.memory_space<vmem_shared>>
      tpu.enqueue_dma source(%dma_start3A_68 : memref<80x128xf32, #tpu.memory_space<vmem_shared>>) target(%dma_start3A_66 : memref<80x128xf32, #tpu.memory_space<hbm>>) target_semaphore(%run_scoped3A : memref<!tpu.dma_semaphore, #tpu.memory_space<semaphore_mem>>)
      %dma_wait3A = arith.constant 0 : i32
      %dma_wait3A_69 = tpu.memref_slice %arg7[%add3A_41, %dma_wait3A] : memref<20480x128xf32, #tpu.memory_space<hbm>> -> memref<80x128xf32, #tpu.memory_space<hbm>>
      %dma_wait3A_70 = arith.constant 0 : i32
      %dma_wait3A_71 = tpu.memref_slice %arg15[%add3A_39, %dma_wait3A_70] : memref<10240x128xf32, #tpu.memory_space<vmem_shared>> -> memref<80x128xf32, #tpu.memory_space<vmem_shared>>
      tpu.wait_dma2 semaphore(%run_scoped3A : memref<!tpu.dma_semaphore, #tpu.memory_space<semaphore_mem>>) src(%dma_wait3A_71 : memref<80x128xf32, #tpu.memory_space<vmem_shared>>) dst(%dma_wait3A_69 : memref<80x128xf32, #tpu.memory_space<hbm>>)
      tpu.yield
    }) : () -> ()
    %add3A_42 = arith.constant 160 : i32
    %add3A_43 = arith.addi %mul3A_2, %add3A_42 : i32
    %add3A_44 = arith.constant 160 : i32
    %add3A_45 = arith.addi %add3A_33, %add3A_44 : i32
    "tpu.region"() ({
      %run_scoped3A = tpu.sem_alloc : memref<!tpu.dma_semaphore, #tpu.memory_space<semaphore_mem>>
      %dma_start3A = arith.constant 0 : i32
      %dma_start3A_66 = tpu.memref_slice %arg7[%add3A_45, %dma_start3A] : memref<20480x128xf32, #tpu.memory_space<hbm>> -> memref<80x128xf32, #tpu.memory_space<hbm>>
      %dma_start3A_67 = arith.constant 0 : i32
      %dma_start3A_68 = tpu.memref_slice %arg15[%add3A_43, %dma_start3A_67] : memref<10240x128xf32, #tpu.memory_space<vmem_shared>> -> memref<80x128xf32, #tpu.memory_space<vmem_shared>>
      tpu.enqueue_dma source(%dma_start3A_68 : memref<80x128xf32, #tpu.memory_space<vmem_shared>>) target(%dma_start3A_66 : memref<80x128xf32, #tpu.memory_space<hbm>>) target_semaphore(%run_scoped3A : memref<!tpu.dma_semaphore, #tpu.memory_space<semaphore_mem>>)
      %dma_wait3A = arith.constant 0 : i32
      %dma_wait3A_69 = tpu.memref_slice %arg7[%add3A_45, %dma_wait3A] : memref<20480x128xf32, #tpu.memory_space<hbm>> -> memref<80x128xf32, #tpu.memory_space<hbm>>
      %dma_wait3A_70 = arith.constant 0 : i32
      %dma_wait3A_71 = tpu.memref_slice %arg15[%add3A_43, %dma_wait3A_70] : memref<10240x128xf32, #tpu.memory_space<vmem_shared>> -> memref<80x128xf32, #tpu.memory_space<vmem_shared>>
      tpu.wait_dma2 semaphore(%run_scoped3A : memref<!tpu.dma_semaphore, #tpu.memory_space<semaphore_mem>>) src(%dma_wait3A_71 : memref<80x128xf32, #tpu.memory_space<vmem_shared>>) dst(%dma_wait3A_69 : memref<80x128xf32, #tpu.memory_space<hbm>>)
      tpu.yield
    }) : () -> ()
    %add3A_46 = arith.constant 240 : i32
    %add3A_47 = arith.addi %mul3A_2, %add3A_46 : i32
    %add3A_48 = arith.constant 240 : i32
    %add3A_49 = arith.addi %add3A_33, %add3A_48 : i32
    "tpu.region"() ({
      %run_scoped3A = tpu.sem_alloc : memref<!tpu.dma_semaphore, #tpu.memory_space<semaphore_mem>>
      %dma_start3A = arith.constant 0 : i32
      %dma_start3A_66 = tpu.memref_slice %arg7[%add3A_49, %dma_start3A] : memref<20480x128xf32, #tpu.memory_space<hbm>> -> memref<80x128xf32, #tpu.memory_space<hbm>>
      %dma_start3A_67 = arith.constant 0 : i32
      %dma_start3A_68 = tpu.memref_slice %arg15[%add3A_47, %dma_start3A_67] : memref<10240x128xf32, #tpu.memory_space<vmem_shared>> -> memref<80x128xf32, #tpu.memory_space<vmem_shared>>
      tpu.enqueue_dma source(%dma_start3A_68 : memref<80x128xf32, #tpu.memory_space<vmem_shared>>) target(%dma_start3A_66 : memref<80x128xf32, #tpu.memory_space<hbm>>) target_semaphore(%run_scoped3A : memref<!tpu.dma_semaphore, #tpu.memory_space<semaphore_mem>>)
      %dma_wait3A = arith.constant 0 : i32
      %dma_wait3A_69 = tpu.memref_slice %arg7[%add3A_49, %dma_wait3A] : memref<20480x128xf32, #tpu.memory_space<hbm>> -> memref<80x128xf32, #tpu.memory_space<hbm>>
      %dma_wait3A_70 = arith.constant 0 : i32
      %dma_wait3A_71 = tpu.memref_slice %arg15[%add3A_47, %dma_wait3A_70] : memref<10240x128xf32, #tpu.memory_space<vmem_shared>> -> memref<80x128xf32, #tpu.memory_space<vmem_shared>>
      tpu.wait_dma2 semaphore(%run_scoped3A : memref<!tpu.dma_semaphore, #tpu.memory_space<semaphore_mem>>) src(%dma_wait3A_71 : memref<80x128xf32, #tpu.memory_space<vmem_shared>>) dst(%dma_wait3A_69 : memref<80x128xf32, #tpu.memory_space<hbm>>)
      tpu.yield
    }) : () -> ()
    %add3A_50 = arith.constant 320 : i32
    %add3A_51 = arith.addi %mul3A_2, %add3A_50 : i32
    %add3A_52 = arith.constant 320 : i32
    %add3A_53 = arith.addi %add3A_33, %add3A_52 : i32
    "tpu.region"() ({
      %run_scoped3A = tpu.sem_alloc : memref<!tpu.dma_semaphore, #tpu.memory_space<semaphore_mem>>
      %dma_start3A = arith.constant 0 : i32
      %dma_start3A_66 = tpu.memref_slice %arg7[%add3A_53, %dma_start3A] : memref<20480x128xf32, #tpu.memory_space<hbm>> -> memref<80x128xf32, #tpu.memory_space<hbm>>
      %dma_start3A_67 = arith.constant 0 : i32
      %dma_start3A_68 = tpu.memref_slice %arg15[%add3A_51, %dma_start3A_67] : memref<10240x128xf32, #tpu.memory_space<vmem_shared>> -> memref<80x128xf32, #tpu.memory_space<vmem_shared>>
      tpu.enqueue_dma source(%dma_start3A_68 : memref<80x128xf32, #tpu.memory_space<vmem_shared>>) target(%dma_start3A_66 : memref<80x128xf32, #tpu.memory_space<hbm>>) target_semaphore(%run_scoped3A : memref<!tpu.dma_semaphore, #tpu.memory_space<semaphore_mem>>)
      %dma_wait3A = arith.constant 0 : i32
      %dma_wait3A_69 = tpu.memref_slice %arg7[%add3A_53, %dma_wait3A] : memref<20480x128xf32, #tpu.memory_space<hbm>> -> memref<80x128xf32, #tpu.memory_space<hbm>>
      %dma_wait3A_70 = arith.constant 0 : i32
      %dma_wait3A_71 = tpu.memref_slice %arg15[%add3A_51, %dma_wait3A_70] : memref<10240x128xf32, #tpu.memory_space<vmem_shared>> -> memref<80x128xf32, #tpu.memory_space<vmem_shared>>
      tpu.wait_dma2 semaphore(%run_scoped3A : memref<!tpu.dma_semaphore, #tpu.memory_space<semaphore_mem>>) src(%dma_wait3A_71 : memref<80x128xf32, #tpu.memory_space<vmem_shared>>) dst(%dma_wait3A_69 : memref<80x128xf32, #tpu.memory_space<hbm>>)
      tpu.yield
    }) : () -> ()
    %add3A_54 = arith.constant 400 : i32
    %add3A_55 = arith.addi %mul3A_2, %add3A_54 : i32
    %add3A_56 = arith.constant 400 : i32
    %add3A_57 = arith.addi %add3A_33, %add3A_56 : i32
    "tpu.region"() ({
      %run_scoped3A = tpu.sem_alloc : memref<!tpu.dma_semaphore, #tpu.memory_space<semaphore_mem>>
      %dma_start3A = arith.constant 0 : i32
      %dma_start3A_66 = tpu.memref_slice %arg7[%add3A_57, %dma_start3A] : memref<20480x128xf32, #tpu.memory_space<hbm>> -> memref<80x128xf32, #tpu.memory_space<hbm>>
      %dma_start3A_67 = arith.constant 0 : i32
      %dma_start3A_68 = tpu.memref_slice %arg15[%add3A_55, %dma_start3A_67] : memref<10240x128xf32, #tpu.memory_space<vmem_shared>> -> memref<80x128xf32, #tpu.memory_space<vmem_shared>>
      tpu.enqueue_dma source(%dma_start3A_68 : memref<80x128xf32, #tpu.memory_space<vmem_shared>>) target(%dma_start3A_66 : memref<80x128xf32, #tpu.memory_space<hbm>>) target_semaphore(%run_scoped3A : memref<!tpu.dma_semaphore, #tpu.memory_space<semaphore_mem>>)
      %dma_wait3A = arith.constant 0 : i32
      %dma_wait3A_69 = tpu.memref_slice %arg7[%add3A_57, %dma_wait3A] : memref<20480x128xf32, #tpu.memory_space<hbm>> -> memref<80x128xf32, #tpu.memory_space<hbm>>
      %dma_wait3A_70 = arith.constant 0 : i32
      %dma_wait3A_71 = tpu.memref_slice %arg15[%add3A_55, %dma_wait3A_70] : memref<10240x128xf32, #tpu.memory_space<vmem_shared>> -> memref<80x128xf32, #tpu.memory_space<vmem_shared>>
      tpu.wait_dma2 semaphore(%run_scoped3A : memref<!tpu.dma_semaphore, #tpu.memory_space<semaphore_mem>>) src(%dma_wait3A_71 : memref<80x128xf32, #tpu.memory_space<vmem_shared>>) dst(%dma_wait3A_69 : memref<80x128xf32, #tpu.memory_space<hbm>>)
      tpu.yield
    }) : () -> ()
    %add3A_58 = arith.constant 480 : i32
    %add3A_59 = arith.addi %mul3A_2, %add3A_58 : i32
    %add3A_60 = arith.constant 480 : i32
    %add3A_61 = arith.addi %add3A_33, %add3A_60 : i32
    "tpu.region"() ({
      %run_scoped3A = tpu.sem_alloc : memref<!tpu.dma_semaphore, #tpu.memory_space<semaphore_mem>>
      %dma_start3A = arith.constant 0 : i32
      %dma_start3A_66 = tpu.memref_slice %arg7[%add3A_61, %dma_start3A] : memref<20480x128xf32, #tpu.memory_space<hbm>> -> memref<80x128xf32, #tpu.memory_space<hbm>>
      %dma_start3A_67 = arith.constant 0 : i32
      %dma_start3A_68 = tpu.memref_slice %arg15[%add3A_59, %dma_start3A_67] : memref<10240x128xf32, #tpu.memory_space<vmem_shared>> -> memref<80x128xf32, #tpu.memory_space<vmem_shared>>
      tpu.enqueue_dma source(%dma_start3A_68 : memref<80x128xf32, #tpu.memory_space<vmem_shared>>) target(%dma_start3A_66 : memref<80x128xf32, #tpu.memory_space<hbm>>) target_semaphore(%run_scoped3A : memref<!tpu.dma_semaphore, #tpu.memory_space<semaphore_mem>>)
      %dma_wait3A = arith.constant 0 : i32
      %dma_wait3A_69 = tpu.memref_slice %arg7[%add3A_61, %dma_wait3A] : memref<20480x128xf32, #tpu.memory_space<hbm>> -> memref<80x128xf32, #tpu.memory_space<hbm>>
      %dma_wait3A_70 = arith.constant 0 : i32
      %dma_wait3A_71 = tpu.memref_slice %arg15[%add3A_59, %dma_wait3A_70] : memref<10240x128xf32, #tpu.memory_space<vmem_shared>> -> memref<80x128xf32, #tpu.memory_space<vmem_shared>>
      tpu.wait_dma2 semaphore(%run_scoped3A : memref<!tpu.dma_semaphore, #tpu.memory_space<semaphore_mem>>) src(%dma_wait3A_71 : memref<80x128xf32, #tpu.memory_space<vmem_shared>>) dst(%dma_wait3A_69 : memref<80x128xf32, #tpu.memory_space<hbm>>)
      tpu.yield
    }) : () -> ()
    %add3A_62 = arith.constant 560 : i32
    %add3A_63 = arith.addi %mul3A_2, %add3A_62 : i32
    %add3A_64 = arith.constant 560 : i32
    %add3A_65 = arith.addi %add3A_33, %add3A_64 : i32
    "tpu.region"() ({
      %run_scoped3A = tpu.sem_alloc : memref<!tpu.dma_semaphore, #tpu.memory_space<semaphore_mem>>
      %dma_start3A = arith.constant 0 : i32
      %dma_start3A_66 = tpu.memref_slice %arg7[%add3A_65, %dma_start3A] : memref<20480x128xf32, #tpu.memory_space<hbm>> -> memref<80x128xf32, #tpu.memory_space<hbm>>
      %dma_start3A_67 = arith.constant 0 : i32
      %dma_start3A_68 = tpu.memref_slice %arg15[%add3A_63, %dma_start3A_67] : memref<10240x128xf32, #tpu.memory_space<vmem_shared>> -> memref<80x128xf32, #tpu.memory_space<vmem_shared>>
      tpu.enqueue_dma source(%dma_start3A_68 : memref<80x128xf32, #tpu.memory_space<vmem_shared>>) target(%dma_start3A_66 : memref<80x128xf32, #tpu.memory_space<hbm>>) target_semaphore(%run_scoped3A : memref<!tpu.dma_semaphore, #tpu.memory_space<semaphore_mem>>)
      %dma_wait3A = arith.constant 0 : i32
      %dma_wait3A_69 = tpu.memref_slice %arg7[%add3A_65, %dma_wait3A] : memref<20480x128xf32, #tpu.memory_space<hbm>> -> memref<80x128xf32, #tpu.memory_space<hbm>>
      %dma_wait3A_70 = arith.constant 0 : i32
      %dma_wait3A_71 = tpu.memref_slice %arg15[%add3A_63, %dma_wait3A_70] : memref<10240x128xf32, #tpu.memory_space<vmem_shared>> -> memref<80x128xf32, #tpu.memory_space<vmem_shared>>
      tpu.wait_dma2 semaphore(%run_scoped3A : memref<!tpu.dma_semaphore, #tpu.memory_space<semaphore_mem>>) src(%dma_wait3A_71 : memref<80x128xf32, #tpu.memory_space<vmem_shared>>) dst(%dma_wait3A_69 : memref<80x128xf32, #tpu.memory_space<hbm>>)
      tpu.yield
    }) : () -> ()
    return
  }
}

module attributes {stable_mosaic.version = 14 : i64} {
  func.func @_matmul_body(%arg0: i32, %arg1: memref<1000x128xf32, #tpu.memory_space<vmem>>, %arg2: memref<128x128xf32, #tpu.memory_space<vmem>>, %arg3: memref<1000x128xf32, #tpu.memory_space<vmem>>) attributes {dimension_semantics = [#tpu.dimension_semantics<arbitrary>], iteration_bounds = array<i64: 10>, scalar_prefetch = 0 : i64, scratch_operands = 0 : i64, tpu.core_type = #tpu.core_type<tc>, window_params = [{transform_indices = @transform_0, window_bounds = array<i64: 1000, 128>}, {pipeline_mode = #tpu.pipeline_mode<synchronous>, transform_indices = @transform_1, window_bounds = array<i64: 128, 128>}, {transform_indices = @transform_2, window_bounds = array<i64: 1000, 128>}]} {
    %get3A = arith.constant 0 : index
    %get3A_0 = arith.constant 0 : index
    %get3A_1 = vector.load %arg1[%get3A, %get3A_0] : memref<1000x128xf32, #tpu.memory_space<vmem>>, vector<1000x128xf32>
    %get3A_2 = arith.constant 0 : index
    %get3A_3 = arith.constant 0 : index
    %get3A_4 = vector.load %arg2[%get3A_2, %get3A_3] : memref<128x128xf32, #tpu.memory_space<vmem>>, vector<128x128xf32>
    %dot_general3A = arith.constant dense<0.000000e+00> : vector<1000x128xf32>
    %dot_general3A_5 = tpu.matmul %get3A_1, %get3A_4, %dot_general3A {dimension_numbers = #tpu.dot_dimension_numbers<[1], [0], [0], [1], [0, 0, 1, 1], [], []>, transpose_lhs_hint = false} : vector<1000x128xf32>, vector<128x128xf32>, vector<1000x128xf32> -> vector<1000x128xf32>
    %swap3A = arith.constant 0 : index
    %swap3A_6 = arith.constant 0 : index
    %swap3A_7 = vector.load %arg3[%swap3A, %swap3A_6] : memref<1000x128xf32, #tpu.memory_space<vmem>>, vector<1000x128xf32>
    tpu.vector_store %arg3[%swap3A, %swap3A_6], %dot_general3A_5 {strides = array<i32>} : memref<1000x128xf32, #tpu.memory_space<vmem>>, vector<1000x128xf32>,
    return
  }
  func.func @transform_0(%arg0: i32) -> (i32, i32) {
    %c0_i32 = arith.constant 0 : i32
    %c0_i32_0 = arith.constant 0 : i32
    return %arg0, %c0_i32 : i32, i32
  }
  func.func @transform_1(%arg0: i32) -> (i32, i32) {
    %c0_i32 = arith.constant 0 : i32
    %c0_i32_0 = arith.constant 0 : i32
    %c0_i32_1 = arith.constant 0 : i32
    return %c0_i32, %c0_i32_0 : i32, i32
  }
  func.func @transform_2(%arg0: i32) -> (i32, i32) {
    %c0_i32 = arith.constant 0 : i32
    %c0_i32_0 = arith.constant 0 : i32
    return %arg0, %c0_i32 : i32, i32
  }
}

module attributes {stable_mosaic.version = 14 : i64} {
  func.func @_combine_body(%arg0: i32, %arg1: memref<80x128xf32, #tpu.memory_space<vmem>>, %arg2: memref<80x128xf32, #tpu.memory_space<vmem>>, %arg3: memref<80x128xf32, #tpu.memory_space<vmem>>) attributes {dimension_semantics = [#tpu.dimension_semantics<arbitrary>], iteration_bounds = array<i64: 125>, scalar_prefetch = 0 : i64, scratch_operands = 0 : i64, tpu.core_type = #tpu.core_type<tc>, window_params = [{transform_indices = @transform_0, window_bounds = array<i64: 80, 128>}, {transform_indices = @transform_1, window_bounds = array<i64: 80, 128>}, {transform_indices = @transform_2, window_bounds = array<i64: 80, 128>}]} {
    %get3A = arith.constant 0 : index
    %get3A_0 = arith.constant 0 : index
    %get3A_1 = vector.load %arg1[%get3A, %get3A_0] : memref<80x128xf32, #tpu.memory_space<vmem>>, vector<80x128xf32>
    %get3A_2 = arith.constant 0 : index
    %get3A_3 = arith.constant 0 : index
    %get3A_4 = vector.load %arg2[%get3A_2, %get3A_3] : memref<80x128xf32, #tpu.memory_space<vmem>>, vector<80x128xf32>
    %add3A = arith.addf %get3A_1, %get3A_4 : vector<80x128xf32>
    %swap3A = arith.constant 0 : index
    %swap3A_5 = arith.constant 0 : index
    %swap3A_6 = vector.load %arg3[%swap3A, %swap3A_5] : memref<80x128xf32, #tpu.memory_space<vmem>>, vector<80x128xf32>
    tpu.vector_store %arg3[%swap3A, %swap3A_5], %add3A {strides = array<i32>} : memref<80x128xf32, #tpu.memory_space<vmem>>, vector<80x128xf32>,
    return
  }
  func.func @transform_0(%arg0: i32) -> (i32, i32) {
    %c0_i32 = arith.constant 0 : i32
    %c0_i32_0 = arith.constant 0 : i32
    return %arg0, %c0_i32 : i32, i32
  }
  func.func @transform_1(%arg0: i32) -> (i32, i32) {
    %add3A = arith.constant 128 : i32
    %add3A_0 = arith.addi %arg0, %add3A : i32
    %c0_i32 = arith.constant 0 : i32
    %c0_i32_1 = arith.constant 0 : i32
    return %add3A_0, %c0_i32 : i32, i32
  }
  func.func @transform_2(%arg0: i32) -> (i32, i32) {
    %c0_i32 = arith.constant 0 : i32
    %c0_i32_0 = arith.constant 0 : i32
    return %arg0, %c0_i32 : i32, i32
  }
}

</mosaic_0001>

<sc_bundles>
// kernel: _run.5.cloned.1.call-start
scs
__scs_entry_jumppad:
0x0: {  	(pc) =	sbr.rel $0x88, $3  }
0x1: {  	(tag) =	ssettag $0x0;
	lr =	simm.s32 $0x1  }
0x2: {  	[smem:$0x3F9C] =	sst lr;
	_ =	strace $0xD0000000  }
0x3: {  	_ = 	snop  }
0x4: {  	_ = 	snop  }
0x5: {  	_ = 	snop  }
0x6: {  	_ = 	snop  }
0x7: {  	_ = 	snop  }
__scs_overlays_trampoline_lowered:
0x8: {  	[smem:$0x3FAB] =	sst s0  }
0x9: {  	[smem:$0x3FAC] =	sst s1  }
0xa: {  	[smem:$0x3FAD] =	sst s2  }
0xb: {  	[smem:$0x3FAE] =	sst s3  }
0xc: {  	[smem:$0x3FAF] =	sst s4  }
0xd: {  	[smem:$0x3FB0] =	sst s5  }
0xe: {  	[smem:$0x3FB1] =	sst s6  }
0xf: {  	[smem:$0x3FB2] =	sst s7  }
0x10: {  	[smem:$0x3FB3] =	sst s8  }
0x11: {  	[smem:$0x3FB4] =	sst s9;
	s0 =	simm.s32 @!p0 $0x0  }
0x12: {  	s1 =	sld [smem:$0x3F9A];
	s0 =	simm.s32 @p0 $0x1  }
0x13: {  	[smem:$0x3FB5] =	sst s0;
	s0 =	simm.s32 @!p1 $0x0  }
0x14: {  	s2 =	sld [smem:$0x3F99];
	s0 =	simm.s32 @p1 $0x1  }
0x15: {  	[smem:$0x3FB6] =	sst s0;
	s0 =	simm.s32 @!p2 $0x0  }
0x16: {  	s3 =	sld [smem:$0x3FDB];
	s0 =	simm.s32 @p2 $0x1  }
0x17: {  	s4 =	simm.s32 $0x1BF5;
	[smem:$0x3FB8] =	sst s0  }
0x18: {  	s0 =	sld [smem:$0x3F9B];
	_ =	swait.ge [sflag:s4], $0x0  }
0x19: {  	s7 =	sld [smem:$0x3F9C]  }
0x1a: {  	s8 =	sadd.s32 $0xFFFFE003, lr  }
0x1b: {  	s9 =	sadd.s32 $0xFFFFFEF7, lr;
	s5 =	simm.s32 $0xFFFFFFFF;
	p2 =	slt.u32 s8, $0xFFFFF086  }
0x1c: {  	p1 =	slt.u32 s9, $0xF7A;
	s5 =	simm.s32 @!p2 $0x0  }
0x1d: {  	s5 =	simm.s32 @p1 $0x1;
	p0 =	seq.s32 s7, s2  }
0x1e: {  	s7 =	smul.u32 @!p0 $0xF7A, s2;
	p2 =	seq.s32 @!p0 s5, $0x0  }
0x1f: {  	s9 =	smul.u32 $0xF7A, s1;
	s8 =	simm.s32 @!p0 $0x1BF5;
	p2 =	por !p2, p0  }
0x20: {  	[sflag:s8] =	ssyncset.s32 @!p0 $0xFFFFF086;
	s6 =	sadd.s32 @!p0 s3, s7;
	s7 =	simm.s32 @!p0 $0x108  }
0x21: {  	s3 =	sadd.s32 s3, s9;
	s6 =	sadd.s32 @!p0 $0x88, s6;
	s7 =	simm.s32 @p2 $0x1082  }
0x22: {  	[simem:s7], [sflag:s8] =	dma.local @!p0 [hbm:s6], $0xF7A  }
0x23: {  	s9 =	sor.u32 $0xD0000000, s2;
	s6 =	simm.s32 $0x108;
	_ =	swait.ge @!p0 [sflag:s8], $0x0  }
0x24: {  	s3 =	sadd.s32 $0x88, s3;
	s6 =	simm.s32 @!p1 $0x1082;
	[sflag:s4] =	ssyncset.s32 $0xFFFFF086  }
0x25: {  	[simem:s6], [sflag:s4] =	dma.local [hbm:s3], $0xF7A  }
0x26: {  	[smem:$0x3F9C] =	sst s1;
	(tag) =	ssettag s2;
	_ =	strace s9  }
0x27: {  	s1 =	sld [smem:$0x3FAC]  }
0x28: {  	s2 =	sld [smem:$0x3FAD]  }
0x29: {  	s4 =	sld [smem:$0x3FAF]  }
0x2a: {  	p0 =	seq.s32 s5, $0x0;
	s5 =	sld [smem:$0x3FB0]  }
0x2b: {  	s6 =	sld [smem:$0x3FB1]  }
0x2c: {  	s7 =	sld [smem:$0x3FB2]  }
0x2d: {  	s3 =	simm.s32 $0x108;
	s8 =	sld [smem:$0x3FB3]  }
0x2e: {  	s3 =	simm.s32 @!p0 $0x1082;
	s9 =	sld [smem:$0x3FB4]  }
0x2f: {  	lr =	sadd.s32 s0, s3;
	s0 =	sld [smem:$0x3FAB]  }
0x30: {  	s3 =	sld [smem:$0x3FAE]  }
0x31: {  	[smem:$0x3FB7] =	sst s10  }
0x32: {  	s10 =	sld [smem:$0x3FB5];
	_ =	sdelay $0x3  }
0x33: {  	p0 =	seq.s32 s10, $0x1;
	s10 =	sld [smem:$0x3FB7];
	_ =	sdelay $0x3  }
0x34: {  	[smem:$0x3FB7] =	sst s10  }
0x35: {  	s10 =	sld [smem:$0x3FB6];
	_ =	sdelay $0x3  }
0x36: {  	p1 =	seq.s32 s10, $0x1;
	s10 =	sld [smem:$0x3FB7];
	_ =	sdelay $0x3  }
0x37: {  	[smem:$0x3FB7] =	sst s10  }
0x38: {  	s10 =	sld [smem:$0x3FB8]  }
0x39: {  	_ = 	snop;
	(pc) =	sbr.ind lr, $3  }
0x3a: {  	_ = 	snop  }
0x3b: {  	_ = 	snop  }
0x3c: {  	p2 =	seq.s32 s10, $0x1;
	s10 =	sld [smem:$0x3FB7]  }
0x3d: {  	_ =	shalt  }
0x3e: {  	_ =	shalt  }
0x3f: {  	_ =	shalt  }
0x40: {  	_ =	shalt  }
0x41: {  	_ =	shalt  }
0x42: {  	_ =	shalt  }
0x43: {  	_ =	shalt  }
0x44: {  	_ =	shalt  }
0x45: {  	_ =	shalt  }
0x46: {  	_ =	shalt  }
0x47: {  	_ =	shalt  }
0x48: {  	_ =	shalt  }
0x49: {  	_ =	shalt  }
0x4a: {  	_ =	shalt  }
0x4b: {  	_ =	shalt  }
0x4c: {  	_ =	shalt  }
0x4d: {  	_ =	shalt  }
0x4e: {  	_ =	shalt  }
0x4f: {  	_ =	shalt  }
0x50: {  	_ =	shalt  }
0x51: {  	_ =	shalt  }
0x52: {  	_ =	shalt  }
0x53: {  	_ =	shalt  }
0x54: {  	_ =	shalt  }
0x55: {  	_ =	shalt  }
0x56: {  	_ =	shalt  }
0x57: {  	_ =	shalt  }
0x58: {  	_ =	shalt  }
0x59: {  	_ =	shalt  }
0x5a: {  	_ =	shalt  }
0x5b: {  	_ =	shalt  }
0x5c: {  	_ =	shalt  }
0x5d: {  	_ =	shalt  }
0x5e: {  	_ =	shalt  }
0x5f: {  	_ =	shalt  }
0x60: {  	_ =	shalt  }
0x61: {  	_ =	shalt  }
0x62: {  	_ =	shalt  }
0x63: {  	_ =	shalt  }
0x64: {  	_ =	shalt  }
0x65: {  	_ =	shalt  }
0x66: {  	_ =	shalt  }
0x67: {  	_ =	shalt  }
0x68: {  	_ =	shalt  }
0x69: {  	_ =	shalt  }
0x6a: {  	_ =	shalt  }
0x6b: {  	_ =	shalt  }
0x6c: {  	_ =	shalt  }
0x6d: {  	_ =	shalt  }
0x6e: {  	_ =	shalt  }
0x6f: {  	_ =	shalt  }
0x70: {  	_ =	shalt  }
0x71: {  	_ =	shalt  }
0x72: {  	_ =	shalt  }
0x73: {  	_ =	shalt  }
0x74: {  	_ =	shalt  }
0x75: {  	_ =	shalt  }
0x76: {  	_ =	shalt  }
0x77: {  	_ =	shalt  }
0x78: {  	_ =	shalt  }
0x79: {  	_ =	shalt  }
0x7a: {  	_ =	shalt  }
0x7b: {  	_ =	shalt  }
0x7c: {  	_ =	shalt  }
0x7d: {  	_ =	shalt  }
0x7e: {  	_ =	shalt  }
0x7f: {  	_ =	shalt  }
0x80: {  	_ =	shalt  }
0x81: {  	_ =	shalt  }
0x82: {  	_ =	shalt  }
0x83: {  	_ =	shalt  }
0x84: {  	_ =	shalt  }
0x85: {  	_ =	shalt  }
0x86: {  	_ =	shalt  }
0x87: {  	_ =	shalt  }
.Lfunc_end0:
.L_simem_size_0:
called_computation_lowered:
.L_overlay_start_0:
0x88: {  	s2 =	sld [smem:$0x3FD9]  }
0x89: {  	s3 =	sld [smem:$0x3FFE];
	_ =	sdelay $0x1  }
0x8a: {  	s1 =	srdreg.scid  }
0x8b: {  	s0 =	sand.u32 $0x1, s1  }
0x8c: {  	s17 =	sshll.u32 s0, $0xA;
	s2 =	sadd.s32 s3, s2  }
0x8d: {  	s2 =	sadd.s32 s2, s17  }
0x8e: {  	[smem:$0x3FC3] =	sst s2  }
0x8f: {  	_ = 	snop  }
0x90: {  	s2 =	sld [smem:$0x3FC7]  }
0x91: {  	s18 =	sld [smem:$0x3FD0];
	(tm) =	ssettm $0x1  }
0x92: {  	s4 =	sld [smem:$0x3FFB];
	_ =	sdelay $0x3  }
0x93: {  	_ =	strace s4  }
0x94: {  	s4 =	sld [smem:$0x3FFC];
	_ =	sdelay $0x3  }
0x95: {  	_ =	strace s4  }
0x96: {  	s4 =	sld [smem:$0x3FFD];
	_ =	sdelay $0x3  }
0x97: {  	_ =	strace s4  }
0x98: {  	_ =	strace $0x8FFFFFFF  }
0x99: {  	s19 =	sld [smem:$0x3FDB];
	_ =	sdelay $0x1  }
0x9a: {  	s5 =	simm.s32 $_scs_section_size  }
0x9b: {  	s6 =	simm.s32 $_size__tile_overlayer_lowered;
	s7 =	simm.s32 $_tile_overlayer_lowered  }
0x9c: {  	s22 =	simm.s32 $0x1BFF;
	s21 =	sshll.u32 s7, $0x1;
	s4 =	sadd.s32 s5, s19  }
0x9d: {  	s8 =	simm.s32 $0x0;
	s20 =	sshll.u32 s6, $0x1;
	s6 =	sadd.s32 s21, s4  }
0x9e: {  	[timem:s8], [sflag:s22] =	dma.local [hbm:s6], s20  }
0x9f: {  	_ =	swait.ge [sflag:s22], s20  }
0xa0: {  	s5 =	ssub.s32 $0x0, s20;
	[sflag:s22] =	ssyncset.done $0x0  }
0xa1: {  	[sflag:s22] =	ssyncadd.s32 s5;
	_ =	sdelay $0x1  }
0xa2: {  	s23 =	simm.s32 $0x1B8B  }
0xa3: {  	_ =	swait.ge [sflag:s23], $0x1  }
0xa4: {  	[sflag:s23] =	ssyncset.done $0x0  }
0xa5: {  	s25 =	simm.s32 $0x1B8E;
	s24 =	sld [smem:$0x3FFE];
	[sflag:s23] =	ssyncadd.s32 $0xFFFFFFFF  }
0xa6: {  	s26 =	simm.s32 $execute0_lowered;
	[smem:$0x3FD2] =	sst s25  }
0xa7: {  	s6 =	sshll.u32 s26, $0x1;
	_ =	strace $0x80000046;
	[dreg:$0x1] =	wrdreg $0xFFFFFFFF  }
0xa8: {  	s28 =	simm.s32 $_size_execute0_lowered;
	s4 =	sadd.s32 s4, s6;
	[dreg:$0x0] =	wrdreg $0x0  }
0xa9: {  	s6 =	sshll.u32 s28, $0x1;
	[dreg:$0x2] =	wrdreg s4  }
0xaa: {  	[dreg:$0x3] =	wrdreg s6  }
0xab: {  	[dreg:$0x4] =	wrdreg $0xC0  }
0xac: {  	_ =	task [dreg:s8], $0x5FFFF  }
0xad: {  	[dreg:$0x1] =	wrdreg $0xFFFFFFFF  }
0xae: {  	[dreg:$0x0] =	wrdreg $0x60  }
0xaf: {  	[dreg:$0x2] =	wrdreg s18  }
0xb0: {  	[dreg:$0x3] =	wrdreg s24  }
0xb1: {  	[dreg:$0x4] =	wrdreg s2  }
0xb2: {  	[dreg:$0x5] =	wrdreg $0x69000  }
0xb3: {  	[dreg:$0x6] =	wrdreg $0x9  }
0xb4: {  	_ =	task.clear_ibuf [dreg:s8], $0x7FFFF;
	_ =	strace $0x90000046  }
0xb5: {  	s29 =	simm.s32 $0x9;
	_ =	strace $0x80000048  }
0xb6: {  	_ =	swait.ge [sflag:s29], $0x1  }
0xb7: {  	[sflag:s29] =	ssyncadd.s32 $0xFFFFFFFF  }
0xb8: {  	_ =	strace $0x90000048  }
0xb9: {  	_ =	sfence  }
0xba: {  	s30 =	sld [smem:$0x0];
	_ =	sdelay $0x2  }
0xbb: {  	s31 =	sshll.u32 s1, $0xD;
	s1 =	sshrl.u32 s1, $0x2  }
0xbc: {  	s3 =	sand.u32 $0x4000, s31;
	s1 =	sadd.s32 s1, s30  }
0xbd: {  	s0 =	sor.u32 s3, s0;
	s1 =	sshll.u32 s1, $0x11  }
0xbe: {  	s0 =	sor.u32 s1, s0  }
0xbf: {  	s0 =	sadd.s32 $0x8F2B, s0  }
0xc0: {  	[sflag:s0] =	ssyncadd.remote.s32 $0x1  }
0xc1: {  	_ =	sfence.sel $0xFFFF  }
0xc2: {  	[dreg:$0x0] =	wrdreg $0xFFFFFFFF;
	(pc) =	sbr.abs _section_cstart, $3  }
0xc3: {  	[dreg:$0x1] =	wrdreg $0xFFFFFFFF  }
0xc4: {  	_ =	task.clear_ibuf [dreg:s8], $0x2FFFF;
	_ =	strace $0x9FFFFFFF  }
0xc5: {  	(tm) =	ssettm $0x7FFFFFFF  }
tec
execute0_lowered:
.L_overlay_start_1:
0x0: {  	(tag) =	ssettag $0x1  }
0x1: {  	s1 =	rddreg [dreg:$0x0]  }
0x2: {  	s0 =	rddreg [dreg:$0x1]  }
0x3: {  	s2 =	rddreg [dreg:$0x2]  }
0x4: {  	s3 =	rddreg [dreg:$0x3];
	s13 =	stileid.u32  }
0x5: {  	s4 =	srdreg.scid;
	s6 =	simm.s32 $0x0;
	s8 =	smul.u32 $0x280, s13  }
0x6: {  	s28 =	simm.s32 $0x4100;
	s29 =	simm.s32 $0x2;
	s10 =	smul.u32 $0x50000, s13  }
0x7: {  	s30 =	simm.s32 $0x800;
	s4 =	sand.u32 $0x1, s4;
	s18 =	smul.u32 $0x2710, s13  }
0x8: {  	s31 =	simm.s32 $0x1000;
	[smem:$0x7FF] =	sst s6;
	s5 =	smul.u32 $0x500, s4  }
0x9: {  	s6 =	sadd.s32 $0xA200, s0;
	s7 =	sadd.s32 $0x400, s0;
	s9 =	smul.u32 $0x2800, s4  }
0xa: {  	_ =	strace $0x80000047;
	s17 =	ssub.s32 $0x2, s4;
	s4 =	smul.u32 $0x27100, s4  }
0xb: {  	s11 =	sshrl.u32 s17, $0x1;
	s10 =	sshrl.u32 s10, $0x2;
	s5 =	sadd.s32 s5, s0  }
0xc: {  	s8 =	sadd.s32 s8, s9;
	s9 =	ssub.s32 s17, s11;
	s16 =	sadd.s32 s18, s4  }
0xd: {  	s4 =	simm.s32 $0x1900;
	s17 =	simm.s32 $0x1880;
	s18 =	simm.s32 $0x0  }
0xe: {  	s8 =	sshll.u32 s8, $0x4;
	s5 =	sadd.s32 $0x14000, s5;
	s26 =	smax.u32 s9, $0x1  }
0xf: {  	s9 =	simm.s32 $0x1;
	s0 =	sadd.s32 s8, s0;
	[dreg:$0x5] =	wrdreg s5  }
0x10: {  	s8 =	sadd.s32 s10, s3;
	[dreg:$0xe] =	wrdreg s26;
	s19 =	sadd.s32 $0x14A00, s0  }
0x11: {  	s5 =	simm.s32 $0x1800;
	s20 =	sadd.s32 $0x14F00, s0;
	[dreg:$0x6] =	wrdreg s19  }
0x12: {  	s10 =	sadd.s32 $0x2800, s8;
	s21 =	sadd.s32 $0x15400, s0;
	[dreg:$0x7] =	wrdreg s20  }
0x13: {  	s11 =	sadd.s32 $0x5000, s8;
	s22 =	sadd.s32 $0x15900, s0;
	[dreg:$0x8] =	wrdreg s21  }
0x14: {  	s12 =	sadd.s32 $0x7800, s8;
	s23 =	sadd.s32 $0x15E00, s0;
	[dreg:$0x9] =	wrdreg s22  }
0x15: {  	s13 =	sadd.s32 $0xA000, s8;
	s24 =	sadd.s32 $0x16300, s0;
	[dreg:$0xa] =	wrdreg s23  }
0x16: {  	s14 =	sadd.s32 $0xC800, s8;
	s25 =	sadd.s32 $0x16800, s0;
	[dreg:$0xb] =	wrdreg s24  }
0x17: {  	s15 =	sadd.s32 $0xF000, s8;
	s0 =	sadd.s32 $0x16D00, s0;
	[dreg:$0xc] =	wrdreg s25  }
0x18: {  	s26 =	sadd.s32 $0x11800, s8;
	[dreg:$0xd] =	wrdreg s0;
	s0 =	simm.s32 $0x50  }
.LBB2_1:
0x19: {  	s19 =	simm.s32 $0x0;
	s20 =	rddreg [dreg:$0x5]  }
0x1a: {  	[tilespmem:s28], [sflag:$0x2] =	stream.linear.gather [hbm4b:s20+s19], $0x2800, $0x38;
	[tilespmem:$0x1A900] =	vst v63  }
0x1b: {  	_ =	swait.ge [sflag:s29], $0x2800  }
0x1c: {  	[sflag:s29] =	ssyncset.done $0x0  }
0x1d: {  	[sflag:s29] =	ssyncadd.s32 $0xFFFFD800  }
0x1e: {  	[spmem:s8] =	stream.linear.scatter [tilespmem:s28], [sflag:$0x2], $0x2800, $0x38;
	[tilespmem:$0x1A900] =	vst v63  }
0x1f: {  	_ =	swait.ge [sflag:s29], $0x2800  }
0x20: {  	[sflag:s29] =	ssyncset.done $0x0  }
0x21: {  	[sflag:s29] =	ssyncadd.s32 $0xFFFFD800  }
0x22: {  	[spmem:s10] =	stream.linear.scatter [tilespmem:s28], [sflag:$0x2], $0x2800, $0x38;
	[tilespmem:$0x1A900] =	vst v63  }
0x23: {  	_ =	swait.ge [sflag:s29], $0x2800  }
0x24: {  	[sflag:s29] =	ssyncset.done $0x0  }
0x25: {  	[sflag:s29] =	ssyncadd.s32 $0xFFFFD800  }
0x26: {  	[spmem:s11] =	stream.linear.scatter [tilespmem:s28], [sflag:$0x2], $0x2800, $0x38;
	[tilespmem:$0x1A900] =	vst v63  }
0x27: {  	_ =	swait.ge [sflag:s29], $0x2800  }
0x28: {  	[sflag:s29] =	ssyncset.done $0x0  }
0x29: {  	[sflag:s29] =	ssyncadd.s32 $0xFFFFD800  }
0x2a: {  	[spmem:s12] =	stream.linear.scatter [tilespmem:s28], [sflag:$0x2], $0x2800, $0x38;
	[tilespmem:$0x1A900] =	vst v63  }
0x2b: {  	_ =	swait.ge [sflag:s29], $0x2800  }
0x2c: {  	[sflag:s29] =	ssyncset.done $0x0  }
0x2d: {  	[sflag:s29] =	ssyncadd.s32 $0xFFFFD800  }
0x2e: {  	[spmem:s13] =	stream.linear.scatter [tilespmem:s28], [sflag:$0x2], $0x2800, $0x38;
	[tilespmem:$0x1A900] =	vst v63  }
0x2f: {  	_ =	swait.ge [sflag:s29], $0x2800  }
0x30: {  	[sflag:s29] =	ssyncset.done $0x0  }
0x31: {  	[sflag:s29] =	ssyncadd.s32 $0xFFFFD800  }
0x32: {  	[spmem:s14] =	stream.linear.scatter [tilespmem:s28], [sflag:$0x2], $0x2800, $0x38;
	[tilespmem:$0x1A900] =	vst v63  }
0x33: {  	_ =	swait.ge [sflag:s29], $0x2800  }
0x34: {  	[sflag:s29] =	ssyncset.done $0x0  }
0x35: {  	[sflag:s29] =	ssyncadd.s32 $0xFFFFD800  }
0x36: {  	[spmem:s15] =	stream.linear.scatter [tilespmem:s28], [sflag:$0x2], $0x2800, $0x38;
	[tilespmem:$0x1A900] =	vst v63  }
0x37: {  	_ =	swait.ge [sflag:s29], $0x2800  }
0x38: {  	[sflag:s29] =	ssyncset.done $0x0  }
0x39: {  	[sflag:s29] =	ssyncadd.s32 $0xFFFFD800  }
0x3a: {  	[spmem:s26] =	stream.linear.scatter [tilespmem:s28], [sflag:$0x2], $0x2800, $0x38;
	[tilespmem:$0x1A900] =	vst v63  }
0x3b: {  	_ =	swait.ge [sflag:s29], $0x2800  }
0x3c: {  	[sflag:s29] =	ssyncset.done $0x0  }
0x3d: {  	[sflag:s29] =	ssyncadd.s32 $0xFFFFD800  }
0x3e: {  	s19 =	simm.s32 $0x0;
	[bflag:$0x0] =	sbarrier.arrive $0xFFFF  }
.LBB2_2:
0x3f: {  	s20 =	smul.u32 $0x7D0, s19;
	_ =	sdelay $0x1  }
0x40: {  	s20 =	sadd.s32 s20, s16  }
0x41: {  	s21 =	sshrl.u32 s20, $0x3  }
0x42: {  	s20 =	simm.s32 $0x0;
	s22 =	sadd.s32 s6, s21  }
0x43: {  	[tilespmem:s20], [sflag:$0x2] =	stream.linear.gather [hbm4b:s22+s20], $0x7D0, $0x38;
	[tilespmem:$0x1A900] =	vst v63  }
0x44: {  	_ =	swait.ge [sflag:s29], $0x7D0  }
0x45: {  	[sflag:s29] =	ssyncset.done $0x0  }
0x46: {  	s25 =	sadd.s32 s7, s21;
	[sflag:s29] =	ssyncadd.s32 $0xFFFFF830  }
0x47: {  	[tilespmem:s30], [sflag:$0x2] =	stream.linear.gather [hbm4b:s25+s20], $0x7D0, $0x38;
	[tilespmem:$0x1A900] =	vst v63  }
0x48: {  	_ =	swait.ge [sflag:s29], $0x7D0  }
0x49: {  	[sflag:s29] =	ssyncset.done $0x0  }
0x4a: {  	s21 =	sadd.s32 s2, s21;
	[sflag:s29] =	ssyncadd.s32 $0xFFFFF830  }
0x4b: {  	[tilespmem:s31], [sflag:$0x2] =	stream.linear.gather [hbm4b:s21+s20], $0x7D0, $0x38;
	[tilespmem:$0x1A900] =	vst v63  }
0x4c: {  	_ =	swait.ge [sflag:s29], $0x7D0  }
0x4d: {  	[sflag:s29] =	ssyncset.done $0x0  }
0x4e: {  	[sflag:s29] =	ssyncadd.s32 $0xFFFFF830  }
.LBB2_3:
0x4f: {  	s21 =	smul.u32 $0x50, s20;
	_ =	sdelay $0x1  }
0x50: {  	v0 =	vld [tilespmem:s21+$0x0];
	_ =	sdelay $0x4  }
0x51: {  	[tilespmem:$0x1800] =	vst v0  }
0x52: {  	v0 =	vld [tilespmem:s21+$0x800];
	_ =	sdelay $0x4  }
0x53: {  	[tilespmem:$0x1880] =	vst v0  }
0x54: {  	v0 =	vld [tilespmem:s21+$0x10];
	_ =	sdelay $0x4  }
0x55: {  	[tilespmem:$0x1810] =	vst v0  }
0x56: {  	v0 =	vld [tilespmem:s21+$0x810];
	_ =	sdelay $0x4  }
0x57: {  	[tilespmem:$0x1890] =	vst v0  }
0x58: {  	v0 =	vld [tilespmem:s21+$0x20];
	_ =	sdelay $0x4  }
0x59: {  	[tilespmem:$0x1820] =	vst v0  }
0x5a: {  	v0 =	vld [tilespmem:s21+$0x820];
	_ =	sdelay $0x4  }
0x5b: {  	[tilespmem:$0x18A0] =	vst v0  }
0x5c: {  	v0 =	vld [tilespmem:s21+$0x30];
	_ =	sdelay $0x4  }
0x5d: {  	[tilespmem:$0x1830] =	vst v0  }
0x5e: {  	v0 =	vld [tilespmem:s21+$0x830];
	_ =	sdelay $0x4  }
0x5f: {  	[tilespmem:$0x18B0] =	vst v0  }
0x60: {  	v0 =	vld [tilespmem:s21+$0x40];
	_ =	sdelay $0x4  }
0x61: {  	[tilespmem:$0x1840] =	vst v0  }
0x62: {  	v0 =	vld [tilespmem:s21+$0x840];
	_ =	sdelay $0x4  }
0x63: {  	[tilespmem:$0x18C0] =	vst v0  }
0x64: {  	[tilespmem:s4], [sflag:$0x1] =	stream.indirect.gather [hbm4b:s1+s0], $0x80, s5, s0, $0xb8;
	[tilespmem:$0x1A900] =	vst v63  }
0x65: {  	_ =	swait.ge [sflag:s9], $0x2800  }
0x66: {  	s21 =	sadd.s32 $0x1000, s21;
	[sflag:s9] =	ssyncset.done $0x0  }
0x67: {  	s25 =	simm.s32 $0x1940;
	s22 =	simm.s32 $0x0;
	v0 =	vmov s21;
	[sflag:s9] =	ssyncadd.s32 $0xFFFFD800  }
.LBB2_4:
0x68: {  	_ =	sdelay $0x2  }
0x69: {  	s21 =	sshll.u32 s22, $0x4  }
0x6a: {  	v1 =	vld.idx.msk [tilespmem:v0+s21+$0x0 ss:$0x1], $0xffff;
	_ =	sdelay $0x1  }
0x6b: {  	v6 =	vld [tilespmem:s25+$0xFFFFFFC0]  }
0x6c: {  	v8 =	vld [tilespmem:s25+$0xFFFFFFD0];
	s24 =	simm.s32 $0x0  }
0x6d: {  	v7 =	vld [tilespmem:s25+$0xFFFFFFE0];
	v2 =	vmov s24  }
0x6e: {  	v4 =	vld [tilespmem:s25+$0x0];
	v2 =	vperm.xlane v1, v2  }
0x6f: {  	v5 =	vld [tilespmem:s25+$0x10]  }
0x70: {  	v3 =	vld [tilespmem:s25+$0x20];
	v9 =	vmul.f32 v6, v2  }
0x71: {  	s23 =	smov.u32 s25;
	s24 =	simm.s32 $0x1;
	s21 =	smov.u32 s25;
	v8 =	vmul.f32 v8, v2;
	v6 =	vld [tilespmem:s25+$0x30]  }
.LBB2_5:
0x72: {  	p0 =	sne.s32 s24, $0xF;
	[tilespmem:s21+$0xFFFFFFC0] =	vst v9;
	v7 =	vmul.f32 v7, v2;
	v9 =	vld [tilespmem:s21+$0xFFFFFFF0];
	s23 =	sadd.s32 $0x80, s23  }
0x73: {  	v10 =	vld [tilespmem:s23+$0xFFFFFFC0];
	[tilespmem:s21+$0xFFFFFFD0] =	vst v8;
	v4 =	vmul.f32 v4, v2  }
0x74: {  	v8 =	vld [tilespmem:s23+$0xFFFFFFD0];
	[tilespmem:s21+$0xFFFFFFE0] =	vst v7;
	v5 =	vmul.f32 v5, v2  }
.Ltmp0:
0x75: {  	v11 =	vmov s24;
	v7 =	vld [tilespmem:s23+$0xFFFFFFE0];
	[tilespmem:s21+$0x0] =	vst v4;
	v3 =	vmul.f32 v3, v2;
	(pc) =	sbr.rel @p0 .LBB2_5-.Ltmp0, $4  }
0x76: {  	v11 =	vperm.xlane v1, v11;
	v4 =	vld [tilespmem:s23+$0x0];
	[tilespmem:s21+$0x10] =	vst v5;
	v6 =	vmul.f32 v6, v2  }
0x77: {  	v5 =	vld [tilespmem:s23+$0x10];
	v12 =	vmul.f32 v9, v2;
	[tilespmem:s21+$0x20] =	vst v3  }
0x78: {  	v2 =	vmov v11;
	v9 =	vmul.f32 v10, v11;
	v3 =	vld [tilespmem:s23+$0x20];
	[tilespmem:s21+$0x30] =	vst v6  }
0x79: {  	s24 =	sadd.s32 $0x1, s24;
	v8 =	vmul.f32 v8, v2;
	v6 =	vld [tilespmem:s23+$0x30];
	[tilespmem:s21+$0xFFFFFFF0] =	vst v12;
	s21 =	smov.u32 s23  }
0x7a: {  	[tilespmem:s21+$0xFFFFFFC0] =	vst v9;
	v1 =	vmul.f32 v7, v2;
	v63 =	vld [tilespmem:s21+$0xFFFFFFF0]  }
0x7b: {  	s22 =	sadd.s32 $0x1, s22;
	[tilespmem:s21+$0xFFFFFFD0] =	vst v8;
	v4 =	vmul.f32 v4, v2  }
0x7c: {  	p0 =	sne.s32 s22, $0x5;
	[tilespmem:s21+$0xFFFFFFE0] =	vst v1;
	v1 =	vmul.f32 v5, v2  }
.Ltmp1:
0x7d: {  	[tilespmem:s21+$0x0] =	vst v4;
	v3 =	vmul.f32 v3, v2;
	(pc) =	sbr.rel @p0 .LBB2_4-.Ltmp1, $4  }
0x7e: {  	[tilespmem:s21+$0x10] =	vst v1;
	v1 =	vmul.f32 v6, v2  }
0x7f: {  	v2 =	vmul.f32 v63, v2;
	[tilespmem:s21+$0x20] =	vst v3  }
0x80: {  	[tilespmem:s21+$0x30] =	vst v1  }
0x81: {  	s25 =	sadd.s32 $0x800, s25;
	[tilespmem:s21+$0xFFFFFFF0] =	vst v2  }
0x82: {  	s20 =	sadd.s32 $0x1, s20  }
0x83: {  	p0 =	sne.s32 s20, $0x19  }
.Ltmp2:
0x84: {  	_ = 	snop;
	(pc) =	sbr.rel @p0 .LBB2_3-.Ltmp2, $4  }
0x85: {  	[spmem:s3] =	stream.indirect.scatter.add.f32 [tilespmem:s4], [sflag:$0x2], $0x80, s17, s0, $0xb8;
	[tilespmem:$0x1A900] =	vst v63  }
0x86: {  	_ =	swait.ge [sflag:s29], $0x2800  }
0x87: {  	[sflag:s29] =	ssyncset.done $0x0  }
0x88: {  	[sflag:s29] =	ssyncadd.s32 $0xFFFFD800  }
0x89: {  	s19 =	sadd.s32 $0x1, s19  }
0x8a: {  	p0 =	sne.s32 s19, $0x5  }
.Ltmp3:
0x8b: {  	_ = 	snop;
	(pc) =	sbr.rel @p0 .LBB2_2-.Ltmp3, $1  }
0x8c: {  	_ =	sdelay $0x3  }
0x8d: {  	s19 =	stileid.u32  }
0x8e: {  	[bflag:$0x0] =	sbarrier.arrive $0xFFFF;
	s19 =	sshll.u32 s19, $0x6  }
0x8f: {  	s20 =	sshrl.u32 s8, $0x3;
	s21 =	rddreg [dreg:$0x6];
	s19 =	sor.u32 $0x1C02, s19  }
0x90: {  	[hbm:s21], [sflag:s19] =	dma.local [spmem:s20], $0x500  }
0x91: {  	_ =	swait.ge [sflag:s29], $0x500  }
0x92: {  	[sflag:s29] =	ssyncset.done $0x0  }
0x93: {  	s24 =	sshrl.u32 s10, $0x3;
	s25 =	rddreg [dreg:$0x7];
	[sflag:s29] =	ssyncadd.s32 $0xFFFFFB00  }
0x94: {  	[hbm:s25], [sflag:s19] =	dma.local [spmem:s24], $0x500  }
0x95: {  	_ =	swait.ge [sflag:s29], $0x500  }
0x96: {  	[sflag:s29] =	ssyncset.done $0x0  }
0x97: {  	s22 =	sshrl.u32 s11, $0x3;
	s23 =	rddreg [dreg:$0x8];
	[sflag:s29] =	ssyncadd.s32 $0xFFFFFB00  }
0x98: {  	[hbm:s23], [sflag:s19] =	dma.local [spmem:s22], $0x500  }
0x99: {  	_ =	swait.ge [sflag:s29], $0x500  }
0x9a: {  	[sflag:s29] =	ssyncset.done $0x0  }
0x9b: {  	s24 =	sshrl.u32 s12, $0x3;
	s25 =	rddreg [dreg:$0x9];
	[sflag:s29] =	ssyncadd.s32 $0xFFFFFB00  }
0x9c: {  	[hbm:s25], [sflag:s19] =	dma.local [spmem:s24], $0x500  }
0x9d: {  	_ =	swait.ge [sflag:s29], $0x500  }
0x9e: {  	[sflag:s29] =	ssyncset.done $0x0  }
0x9f: {  	s22 =	sshrl.u32 s13, $0x3;
	s23 =	rddreg [dreg:$0xa];
	[sflag:s29] =	ssyncadd.s32 $0xFFFFFB00  }
0xa0: {  	[hbm:s23], [sflag:s19] =	dma.local [spmem:s22], $0x500  }
0xa1: {  	_ =	swait.ge [sflag:s29], $0x500  }
0xa2: {  	[sflag:s29] =	ssyncset.done $0x0  }
0xa3: {  	s24 =	sshrl.u32 s14, $0x3;
	s25 =	rddreg [dreg:$0xb];
	[sflag:s29] =	ssyncadd.s32 $0xFFFFFB00  }
0xa4: {  	[hbm:s25], [sflag:s19] =	dma.local [spmem:s24], $0x500  }
0xa5: {  	_ =	swait.ge [sflag:s29], $0x500  }
0xa6: {  	[sflag:s29] =	ssyncset.done $0x0  }
0xa7: {  	s21 =	sshrl.u32 s15, $0x3;
	s22 =	rddreg [dreg:$0xc];
	[sflag:s29] =	ssyncadd.s32 $0xFFFFFB00  }
0xa8: {  	[hbm:s22], [sflag:s19] =	dma.local [spmem:s21], $0x500  }
0xa9: {  	_ =	swait.ge [sflag:s29], $0x500  }
0xaa: {  	[sflag:s29] =	ssyncset.done $0x0  }
0xab: {  	s23 =	sshrl.u32 s26, $0x3;
	s24 =	rddreg [dreg:$0xd];
	[sflag:s29] =	ssyncadd.s32 $0xFFFFFB00  }
0xac: {  	[hbm:s24], [sflag:s19] =	dma.local [spmem:s23], $0x500  }
0xad: {  	_ =	swait.ge [sflag:s29], $0x500  }
0xae: {  	s18 =	sadd.s32 $0x1, s18;
	s25 =	rddreg [dreg:$0xe]  }
0xaf: {  	p0 =	sne.s32 s18, s25  }
.Ltmp4:
0xb0: {  	_ = 	snop;
	(pc) =	sbr.rel @p0 .LBB2_1-.Ltmp4, $3  }
0xb1: {  	_ =	sdelay $0x1  }
0xb2: {  	[sflag:s29] =	ssyncset.done $0x0  }
0xb3: {  	[sflag:s29] =	ssyncadd.s32 $0xFFFFFB00  }
0xb4: {  	_ =	sfence.sel $0x180000  }
0xb5: {  	[bflag:$0x0] =	sbarrier.arrive $0xFFFF  }
0xb6: {  	_ =	strace $0x90000047  }
0xb7: {  	s0 =	stileid.u32;
	[bflag:$0x2] =	sbarrier.arrive $0xFFFF  }
0xb8: {  	p0 =	sne.s32 s0, $0x0;
	s0 =	rddreg [dreg:$0x4]  }
0xb9: {  	s0 =	sadd.s32 @!p0 $0x100000, s0  }
0xba: {  	[sflag:s0] =	ssyncadd.tile.s32 @!p0 $0x1;
	_ =	shalt  }
.Lfunc_end2:
_tile_overlayer_lowered:
.L_overlay_start_2:
0xbb: {  	(tag) =	ssettag $0x2  }
0xbc: {  	s0 =	rddreg [dreg:$0x0];
	s2 =	stileid.u32  }
0xbd: {  	s1 =	rddreg [dreg:$0x1];
	p0 =	sne.s32 s2, $0x0  }
0xbe: {  	s3 =	rddreg [dreg:$0x2];
	[bflag:$0x3] =	sbarrier.arrive $0xFFFF;
	s2 =	simm.s32 @!p0 $0x1C02  }
0xbf: {  	[timem:s3], [sflag:s2] =	dma.local @!p0 [hbm:s0], s1  }
0xc0: {  	s0 =	simm.s32 @!p0 $0x2  }
0xc1: {  	_ =	swait.ge @!p0 [sflag:s0], s1  }
0xc2: {  	s1 =	ssub.s32 @!p0 $0x0, s1;
	[sflag:s0] =	ssyncset.done @!p0 $0x0  }
0xc3: {  	[sflag:s0] =	ssyncadd.s32 @!p0 s1  }
0xc4: {  	[bflag:$0x3] =	sbarrier.arrive $0xFFFF  }
0xc5: {  	_ =	shalt  }

</sc_bundles>
